<compile_context>
chip_gen: v7x
topology: tpu7x:2x2x1
jax: 0.10.2.dev20260603
libtpu: 0.0.44.dev20260713+nightly
codegen_flags: <defaults>
</compile_context>

<pallas_src>
import functools

import jax
import jax.numpy as jnp
from jax import lax
from jax.experimental import pallas as pl
from jax.experimental.pallas import tpu as pltpu
from jax.experimental.pallas import tpu_sc as plsc

B, N, D = 4, 8192, 2048
KTOP = 256
P = 512
NBLK = 1024
NCHUNK = 512
NUM_CHUNKS = N // NCHUNK


def _score_body(x_ref, w_ref, b_ref, o_ref):
    xb = x_ref[0]
    w = w_ref[...]
    s = lax.dot_general(w, xb, (((1,), (1,)), ((), ())),
                        preferred_element_type=jnp.float32)
    o_ref[0] = s + b_ref[0]


def _scores(x, w2, bv):
    return pl.pallas_call(
        _score_body,
        grid=(B, N // NBLK),
        in_specs=[
            pl.BlockSpec((1, NBLK, D), lambda b, n: (b, n, 0)),
            pl.BlockSpec((1, D), lambda b, n: (0, 0)),
            pl.BlockSpec(memory_space=pltpu.SMEM),
        ],
        out_specs=pl.BlockSpec((1, 1, NBLK), lambda b, n: (b, 0, n)),
        out_shape=jax.ShapeDtypeStruct((B, 1, N), jnp.float32),
    )(x, w2, bv)


def _t(row):
    one = jnp.ones((1, 1), jnp.float32)
    return lax.dot_general(row, one, (((0,), (0,)), ((), ())),
                           precision=lax.Precision.HIGHEST,
                           preferred_element_type=jnp.float32)


def _topk_body(s_ref, p_out, tk_out, flat_out):
    s = s_ref[...]
    m = jnp.max(s, axis=1, keepdims=True)
    e = jnp.exp(s - m)
    z = jnp.sum(e, axis=1, keepdims=True)
    p = e / z
    p_out[...] = p

    bits = lax.bitcast_convert_type(p, jnp.int32)
    t = jnp.zeros((B, 1), jnp.int32)
    for bit in range(29, -1, -1):
        tc = t | (1 << bit)
        cnt = jnp.sum((bits >= tc).astype(jnp.int32), axis=1, keepdims=True)
        t = jnp.where(cnt >= KTOP, tc, t)
    ge = bits >= t
    ge_f = ge.astype(jnp.float32)

    eye_b = (lax.broadcasted_iota(jnp.int32, (B, B), 0) ==
             lax.broadcasted_iota(jnp.int32, (B, B), 1)).astype(jnp.float32)
    low = (lax.broadcasted_iota(jnp.int32, (NCHUNK, NCHUNK), 0) >
           lax.broadcasted_iota(jnp.int32, (NCHUNK, NCHUNK), 1)).astype(jnp.float32)
    iota_r = lax.broadcasted_iota(jnp.int32, (P, KTOP), 1).astype(jnp.float32)
    iota_n = lax.broadcasted_iota(jnp.int32, (B, N), 1).astype(jnp.float32)
    iota128 = lax.broadcasted_iota(jnp.int32, (N, 128), 1).astype(jnp.float32)

    ge_t = lax.dot_general(ge_f, eye_b, (((0,), (0,)), ((), ())),
                           preferred_element_type=jnp.float32)
    pos_chunks = []
    base = jnp.zeros((1, B), jnp.float32)
    for tci in range(NUM_CHUNKS):
        chunk = ge_t[tci * NCHUNK:(tci + 1) * NCHUNK, :]
        pref = lax.dot_general(low, chunk, (((1,), (0,)), ((), ())),
                               preferred_element_type=jnp.float32)
        pos_chunks.append(pref + base)
        base = base + jnp.sum(chunk, axis=0, keepdims=True)
    pos_col = jnp.concatenate(pos_chunks, axis=0)
    pos_row = lax.dot_general(eye_b, pos_col, (((1,), (1,)), ((), ())),
                              precision=lax.Precision.HIGHEST,
                              preferred_element_type=jnp.float32)

    hi_row = jnp.floor(pos_row * (1.0 / 128.0))
    lo_col = pos_col - 128.0 * jnp.floor(pos_col * (1.0 / 128.0))
    nseg = P // 128
    comp_p = [None] * B
    comp_i = [None] * B
    for bb in range(B):
        lo_m = lo_col[:, bb:bb + 1] + (1.0 - ge_t[:, bb:bb + 1]) * 1024.0
        g_lo = (lo_m == iota128).astype(jnp.float32)
        rows = []
        for qh in range(nseg):
            msk = ((hi_row[bb:bb + 1, :] == qh) & ge[bb:bb + 1, :]
                   ).astype(jnp.float32)
            rows.append(p[bb:bb + 1, :] * msk)
        for qh in range(nseg):
            msk = ((hi_row[bb:bb + 1, :] == qh) & ge[bb:bb + 1, :]
                   ).astype(jnp.float32)
            rows.append(iota_n[bb:bb + 1, :] * msk)
        v = jnp.concatenate(rows, axis=0)
        c = lax.dot_general(v, g_lo, (((1,), (0,)), ((), ())),
                            precision=lax.Precision.HIGHEST,
                            preferred_element_type=jnp.float32)
        comp_p[bb] = jnp.concatenate(
            [c[i:i + 1, :] for i in range(nseg)], axis=1)
        comp_i[bb] = jnp.concatenate(
            [c[nseg + i:nseg + i + 1, :] for i in range(nseg)], axis=1)

    for bb in range(B):
        cp_r, ci_r = comp_p[bb], comp_i[bb]
        cp_c, ci_c = _t(cp_r), _t(ci_r)
        beats = ((cp_c > cp_r) |
                 ((cp_c == cp_r) & (ci_c < ci_r))).astype(jnp.float32)
        ones_row = jnp.ones((1, P), jnp.float32)
        rank_r = lax.dot_general(ones_row, beats, (((1,), (0,)), ((), ())),
                                 preferred_element_type=jnp.float32)
        rank_c = _t(rank_r)
        h = (rank_c == iota_r).astype(jnp.float32)
        tk_row = lax.dot_general(ci_r, h, (((1,), (0,)), ((), ())),
                                 precision=lax.Precision.HIGHEST,
                                 preferred_element_type=jnp.float32)
        tk_i = tk_row.astype(jnp.int32)
        tk_out[bb:bb + 1, :] = tk_i
        flat_out[bb:bb + 1, :] = tk_i + (bb * N)


def _softmax_topk(scores):
    return pl.pallas_call(
        _topk_body,
        out_shape=(
            jax.ShapeDtypeStruct((B, N), jnp.float32),
            jax.ShapeDtypeStruct((B, KTOP), jnp.int32),
            jax.ShapeDtypeStruct((B, KTOP), jnp.int32),
        ),
    )(scores)


def _sc_gather(x2d, flat_idx):
    nrows = B * KTOP
    info = plsc.get_sparse_core_info()
    nw = info.num_cores * info.num_subcores
    bpw = nrows // nw

    @functools.partial(
        pl.kernel,
        mesh=plsc.VectorSubcoreMesh(core_axis_name="c", subcore_axis_name="s"),
        out_type=jax.ShapeDtypeStruct((nrows, D), jnp.float32),
        scratch_types=[
            pltpu.VMEM((bpw,), jnp.int32),
            pltpu.VMEM((bpw, D), jnp.float32),
            pltpu.SemaphoreType.DMA,
        ],
    )
    def gk(x_hbm, idx_hbm, out_hbm, idx_v, rows_v, sem):
        wid = lax.axis_index("s") * info.num_cores + lax.axis_index("c")
        base = wid * bpw
        pltpu.sync_copy(idx_hbm.at[pl.ds(base, bpw)], idx_v)
        pltpu.async_copy(x_hbm.at[idx_v], rows_v, sem).wait()
        pltpu.sync_copy(rows_v, out_hbm.at[pl.ds(base, bpw)])

    return gk(x2d, flat_idx)


def kernel(x, W, b):
    w2 = W.reshape(1, D)
    bv = b.reshape(1)
    scores = _scores(x, w2, bv).reshape(B, N)
    probs, tk, flat = _softmax_topk(scores)
    sel = _sc_gather(x.reshape(B * N, D), flat.reshape(B * KTOP))
    return sel.reshape(B, KTOP, D), probs, tk

# --- scband reference (transcript-rebuilt; emitter-appended) ---
"""Pipeline reference for scband-pointer-network-17841294147655 (READ-ONLY COPY).

The authoritative reference and input builder live on the scoring server;
editing this copy changes nothing except your own understanding.
"""

import jax, jax.numpy as jnp
import numpy as np

K = 256

def setup_inputs(seed: int = 0) -> dict:
    key = jax.random.key(seed)
    k1, k2 = jax.random.split(key, 2)
    x = jax.random.normal(k1, (4, 8192, 2048), dtype=jnp.float32)
    # nn.Linear(input_dim, 1): weight [1, input_dim], bias [1]
    W = jax.random.normal(k2, (2048,), dtype=jnp.float32) * 0.02
    b = jnp.zeros((), dtype=jnp.float32)
    return {"x": x, "W": W, "b": b}

def reference(x, W, b):
    # attn_scores = Linear(x).squeeze(-1) -> [B, N]
    attn_scores = jnp.einsum('bnd,d->bn', x, W) + b
    attn_probs = jax.nn.softmax(attn_scores, axis=1)
    # k = min(self.k, N) = 256
    topk_probs, topk_indices = jax.lax.top_k(attn_probs, K)
    # gather selected tokens: [B, K, D]
    selected = jnp.take_along_axis(x, topk_indices[:, :, None], axis=1)
    return (selected, attn_probs, topk_indices)

if __name__ == "__main__":
    import jax
    _d = setup_inputs()
    print(jax.jit(kernel)(*tuple(_d.values())))

</pallas_src>

<mosaic_0001>
#map = affine_map<(d0, d1) -> (0, 0)>
#map1 = affine_map<(d0, d1) -> (0)>
module attributes {stable_mosaic.version = 14 : i64} {
  func.func @gk(%arg0: i32, %arg1: i32, %arg2: memref<32768x2048xf32, #tpu.memory_space<hbm>>, %arg3: memref<1024xi32, #tpu.memory_space<hbm>>, %arg4: memref<1024x2048xf32, #tpu.memory_space<hbm>>, %arg5: memref<32xi32, #tpu.memory_space<vmem>>, %arg6: memref<32x2048xf32, #tpu.memory_space<vmem>>, %arg7: memref<!tpu.dma_semaphore, #tpu.memory_space<semaphore_mem>>) attributes {dimension_semantics = [#tpu.dimension_semantics<core_parallel>, #tpu.dimension_semantics<subcore_parallel>], iteration_bounds = array<i64: 2, 16>, scalar_prefetch = 0 : i64, scratch_operands = 3 : i64, tpu.core_type = #tpu.core_type<sc_vector_subcore>, window_params = [{transform_indices = #map}, {transform_indices = #map1}, {transform_indices = #map}]} {
    %mul3A = arith.constant 2 : i32
    %mul3A_0 = arith.muli %arg1, %mul3A : i32
    %add3A = arith.addi %mul3A_0, %arg0 : i32
    %mul3A_1 = arith.constant 32 : i32
    %mul3A_2 = arith.muli %add3A, %mul3A_1 : i32
    "tpu.region"() ({
      %run_scoped3A = tpu.sem_alloc : memref<!tpu.dma_semaphore, #tpu.memory_space<semaphore_mem>>
      %dma_start3A_7 = tpu.memref_slice %arg3[%mul3A_2] : memref<1024xi32, #tpu.memory_space<hbm>> -> memref<32xi32, #tpu.memory_space<hbm>>
      %dma_start3A_8 = tpu.memref_slice %arg3[%mul3A_2] : memref<1024xi32, #tpu.memory_space<hbm>> -> memref<32xi32, #tpu.memory_space<hbm>>
      tpu.enqueue_dma source(%dma_start3A_8 : memref<32xi32, #tpu.memory_space<hbm>>) target(%arg5 : memref<32xi32, #tpu.memory_space<vmem>>) target_semaphore(%run_scoped3A : memref<!tpu.dma_semaphore, #tpu.memory_space<semaphore_mem>>)
      %dma_wait3A_9 = tpu.memref_slice %arg3[%mul3A_2] : memref<1024xi32, #tpu.memory_space<hbm>> -> memref<32xi32, #tpu.memory_space<hbm>>
      %dma_wait3A_10 = tpu.memref_slice %arg3[%mul3A_2] : memref<1024xi32, #tpu.memory_space<hbm>> -> memref<32xi32, #tpu.memory_space<hbm>>
      tpu.wait_dma2 semaphore(%run_scoped3A : memref<!tpu.dma_semaphore, #tpu.memory_space<semaphore_mem>>) src(%dma_wait3A_10 : memref<32xi32, #tpu.memory_space<hbm>>) dst(%arg5 : memref<32xi32, #tpu.memory_space<vmem>>)
      tpu.yield
    }) : () -> ()
    %dma_start3A = arith.constant 0 : i32
    %dma_start3A_3 = arith.constant 0 : i32
    %dma_start3A_4 = tpu.memref_slice %arg2[%dma_start3A, %dma_start3A_3] : memref<32768x2048xf32, #tpu.memory_space<hbm>> -> memref<32768x2048xf32, #tpu.memory_space<hbm>>
    tpu.enqueue_indirect_dma source(%dma_start3A_4 : memref<32768x2048xf32, #tpu.memory_space<hbm>>) target(%arg6 : memref<32x2048xf32, #tpu.memory_space<vmem>>) offsets(%arg5 : memref<32xi32, #tpu.memory_space<vmem>>) semaphore(%arg7 : memref<!tpu.dma_semaphore, #tpu.memory_space<semaphore_mem>>)
    %dma_wait3A = arith.constant 0 : i32
    %dma_wait3A_5 = arith.constant 0 : i32
    %dma_wait3A_6 = tpu.memref_slice %arg2[%dma_wait3A, %dma_wait3A_5] : memref<32768x2048xf32, #tpu.memory_space<hbm>> -> memref<32768x2048xf32, #tpu.memory_space<hbm>>
    tpu.wait_indirect_dma semaphore(%arg7 : memref<!tpu.dma_semaphore, #tpu.memory_space<semaphore_mem>>) src(%dma_wait3A_6 : memref<32768x2048xf32, #tpu.memory_space<hbm>>) dst(%arg6 : memref<32x2048xf32, #tpu.memory_space<vmem>>)
    "tpu.region"() ({
      %run_scoped3A = tpu.sem_alloc : memref<!tpu.dma_semaphore, #tpu.memory_space<semaphore_mem>>
      %dma_start3A_7 = arith.constant 0 : i32
      %dma_start3A_8 = tpu.memref_slice %arg4[%mul3A_2, %dma_start3A_7] : memref<1024x2048xf32, #tpu.memory_space<hbm>> -> memref<32x2048xf32, #tpu.memory_space<hbm>>
      %dma_start3A_9 = arith.constant 0 : i32
      %dma_start3A_10 = tpu.memref_slice %arg4[%mul3A_2, %dma_start3A_9] : memref<1024x2048xf32, #tpu.memory_space<hbm>> -> memref<32x2048xf32, #tpu.memory_space<hbm>>
      tpu.enqueue_dma source(%arg6 : memref<32x2048xf32, #tpu.memory_space<vmem>>) target(%dma_start3A_10 : memref<32x2048xf32, #tpu.memory_space<hbm>>) target_semaphore(%run_scoped3A : memref<!tpu.dma_semaphore, #tpu.memory_space<semaphore_mem>>)
      %dma_wait3A_11 = arith.constant 0 : i32
      %dma_wait3A_12 = tpu.memref_slice %arg4[%mul3A_2, %dma_wait3A_11] : memref<1024x2048xf32, #tpu.memory_space<hbm>> -> memref<32x2048xf32, #tpu.memory_space<hbm>>
      %dma_wait3A_13 = arith.constant 0 : i32
      %dma_wait3A_14 = tpu.memref_slice %arg4[%mul3A_2, %dma_wait3A_13] : memref<1024x2048xf32, #tpu.memory_space<hbm>> -> memref<32x2048xf32, #tpu.memory_space<hbm>>
      tpu.wait_dma2 semaphore(%run_scoped3A : memref<!tpu.dma_semaphore, #tpu.memory_space<semaphore_mem>>) src(%arg6 : memref<32x2048xf32, #tpu.memory_space<vmem>>) dst(%dma_wait3A_14 : memref<32x2048xf32, #tpu.memory_space<hbm>>)
      tpu.yield
    }) : () -> ()
    return
  }
}

module attributes {stable_mosaic.version = 14 : i64} {
  func.func @_score_body(%arg0: i32, %arg1: i32, %arg2: memref<1x1024x2048xf32, #tpu.memory_space<vmem>>, %arg3: memref<1x2048xf32, #tpu.memory_space<vmem>>, %arg4: memref<1xf32, #tpu.memory_space<smem>>, %arg5: memref<1x1x1024xf32, #tpu.memory_space<vmem>>) attributes {dimension_semantics = [#tpu.dimension_semantics<arbitrary>, #tpu.dimension_semantics<arbitrary>], iteration_bounds = array<i64: 4, 8>, scalar_prefetch = 0 : i64, scratch_operands = 0 : i64, tpu.core_type = #tpu.core_type<tc>, window_params = [{transform_indices = @transform_0, window_bounds = array<i64: 1, 1024, 2048>}, {pipeline_mode = #tpu.pipeline_mode<synchronous>, transform_indices = @transform_1, window_bounds = array<i64: 1, 2048>}, {transform_indices = @transform_2, window_bounds = array<i64: 1>}, {transform_indices = @transform_3, window_bounds = array<i64: 1, 1, 1024>}]} {
    %get3A = arith.constant 0 : index
    %get3A_0 = arith.constant 0 : index
    %get3A_1 = arith.constant 0 : index
    %get3A_2 = vector.load %arg2[%get3A, %get3A_0, %get3A_1] : memref<1x1024x2048xf32, #tpu.memory_space<vmem>>, vector<1x1024x2048xf32>
    %get3A_3 = vector.shape_cast %get3A_2 : vector<1x1024x2048xf32> to vector<1024x2048xf32>
    %get3A_4 = arith.constant 0 : index
    %get3A_5 = arith.constant 0 : index
    %get3A_6 = vector.load %arg3[%get3A_4, %get3A_5] : memref<1x2048xf32, #tpu.memory_space<vmem>>, vector<1x2048xf32>
    %dot_general3A = arith.constant dense<0.000000e+00> : vector<1x1024xf32>
    %dot_general3A_7 = tpu.matmul %get3A_6, %get3A_3, %dot_general3A {dimension_numbers = #tpu.dot_dimension_numbers<[1], [1], [0], [0], [0, 0, 1, 0], [], []>, transpose_lhs_hint = false} : vector<1x2048xf32>, vector<1024x2048xf32>, vector<1x1024xf32> -> vector<1x1024xf32>
    %get3A_8 = arith.constant 0 : index
    %get3A_9 = memref.load %arg4[%get3A_8] : memref<1xf32, #tpu.memory_space<smem>>
    %add3A = vector.broadcast %get3A_9 : f32 to vector<1x1024xf32>
    %add3A_10 = arith.addf %dot_general3A_7, %add3A : vector<1x1024xf32>
    %swap3A = arith.constant 0 : index
    %swap3A_11 = arith.constant 0 : index
    %swap3A_12 = arith.constant 0 : index
    %swap3A_13 = vector.load %arg5[%swap3A, %swap3A_11, %swap3A_12] : memref<1x1x1024xf32, #tpu.memory_space<vmem>>, vector<1x1x1024xf32>
    %swap3A_14 = vector.shape_cast %swap3A_13 : vector<1x1x1024xf32> to vector<1x1024xf32>
    %swap3A_15 = vector.shape_cast %add3A_10 : vector<1x1024xf32> to vector<1x1x1024xf32>
    tpu.vector_store %arg5[%swap3A, %swap3A_11, %swap3A_12], %swap3A_15 {strides = array<i32>} : memref<1x1x1024xf32, #tpu.memory_space<vmem>>, vector<1x1x1024xf32>,
    return
  }
  func.func @transform_0(%arg0: i32, %arg1: i32) -> (i32, i32, i32) {
    %c0_i32 = arith.constant 0 : i32
    %c0_i32_0 = arith.constant 0 : i32
    return %arg0, %arg1, %c0_i32 : i32, i32, i32
  }
  func.func @transform_1(%arg0: i32, %arg1: i32) -> (i32, i32) {
    %c0_i32 = arith.constant 0 : i32
    %c0_i32_0 = arith.constant 0 : i32
    %c0_i32_1 = arith.constant 0 : i32
    return %c0_i32, %c0_i32_0 : i32, i32
  }
  func.func @transform_2(%arg0: i32, %arg1: i32) -> i32 {
    %c0_i32 = arith.constant 0 : i32
    %c0_i32_0 = arith.constant 0 : i32
    return %c0_i32 : i32
  }
  func.func @transform_3(%arg0: i32, %arg1: i32) -> (i32, i32, i32) {
    %c0_i32 = arith.constant 0 : i32
    %c0_i32_0 = arith.constant 0 : i32
    return %arg0, %c0_i32, %arg1 : i32, i32, i32
  }
}

module attributes {stable_mosaic.version = 14 : i64} {
  func.func @_topk_body(%arg0: memref<4x8192xf32, #tpu.memory_space<vmem>>, %arg1: memref<4x8192xf32, #tpu.memory_space<vmem>>, %arg2: memref<4x256xi32, #tpu.memory_space<vmem>>, %arg3: memref<4x256xi32, #tpu.memory_space<vmem>>) attributes {dimension_semantics = [], scalar_prefetch = 0 : i64, scratch_operands = 0 : i64, tpu.core_type = #tpu.core_type<tc>} {
    %get3A = arith.constant 0 : index
    %get3A_0 = arith.constant 0 : index
    %get3A_1 = vector.load %arg0[%get3A, %get3A_0] : memref<4x8192xf32, #tpu.memory_space<vmem>>, vector<4x8192xf32>
    %reduce_max3A = arith.constant dense<0xFF800000> : vector<4xf32>
    %reduce_max3A_2 = vector.multi_reduction <maximumf>, %get3A_1, %reduce_max3A [1] : vector<4x8192xf32> to vector<4xf32>
    %broadcast_in_dim3A = vector.shape_cast %reduce_max3A_2 : vector<4xf32> to vector<4x1xf32>
    %sub3A = vector.broadcast %broadcast_in_dim3A : vector<4x1xf32> to vector<4x8192xf32>
    %sub3A_3 = arith.subf %get3A_1, %sub3A : vector<4x8192xf32>
    %exp3A = math.exp %sub3A_3 : vector<4x8192xf32>
    %reduce_sum3A = arith.constant dense<0.000000e+00> : vector<4xf32>
    %reduce_sum3A_4 = vector.multi_reduction <add>, %exp3A, %reduce_sum3A [1] : vector<4x8192xf32> to vector<4xf32>
    %broadcast_in_dim3A_5 = vector.shape_cast %reduce_sum3A_4 : vector<4xf32> to vector<4x1xf32>
    %div3A = vector.broadcast %broadcast_in_dim3A_5 : vector<4x1xf32> to vector<4x8192xf32>
    %div3A_6 = arith.divf %exp3A, %div3A : vector<4x8192xf32>
    %swap3A = arith.constant 0 : index
    %swap3A_7 = arith.constant 0 : index
    %swap3A_8 = vector.load %arg1[%swap3A, %swap3A_7] : memref<4x8192xf32, #tpu.memory_space<vmem>>, vector<4x8192xf32>
    tpu.vector_store %arg1[%swap3A, %swap3A_7], %div3A_6 {strides = array<i32>} : memref<4x8192xf32, #tpu.memory_space<vmem>>, vector<4x8192xf32>,
    %bitcast_convert_type3A = tpu.bitcast %div3A_6 : vector<4x8192xf32> -> vector<4x8192xi32>
    %broadcast_in_dim3A_9 = arith.constant 0 : i32
    %broadcast_in_dim3A_10 = vector.broadcast %broadcast_in_dim3A_9 : i32 to vector<4x1xi32>
    %or3A = arith.constant 536870912 : i32
    %or3A_11 = vector.broadcast %or3A : i32 to vector<4x1xi32>
    %or3A_12 = arith.ori %broadcast_in_dim3A_10, %or3A_11 : vector<4x1xi32>
    %ge3A = vector.broadcast %or3A_12 : vector<4x1xi32> to vector<4x8192xi32>
    %ge3A_13 = arith.cmpi sge, %bitcast_convert_type3A, %ge3A : vector<4x8192xi32>
    %convert_element_type3A = arith.extui %ge3A_13 : vector<4x8192xi1> to vector<4x8192xi32>
    %reduce_sum3A_14 = arith.constant dense<0> : vector<4xi32>
    %reduce_sum3A_15 = vector.multi_reduction <add>, %convert_element_type3A, %reduce_sum3A_14 [1] : vector<4x8192xi32> to vector<4xi32>
    %broadcast_in_dim3A_16 = vector.shape_cast %reduce_sum3A_15 : vector<4xi32> to vector<4x1xi32>
    %ge3A_17 = arith.constant 256 : i32
    %ge3A_18 = vector.broadcast %ge3A_17 : i32 to vector<4x1xi32>
    %ge3A_19 = arith.cmpi sge, %broadcast_in_dim3A_16, %ge3A_18 : vector<4x1xi32>
    %select_n3A = arith.select %ge3A_19, %or3A_12, %broadcast_in_dim3A_10 : vector<4x1xi1>, vector<4x1xi32>
    %or3A_20 = arith.constant 268435456 : i32
    %or3A_21 = vector.broadcast %or3A_20 : i32 to vector<4x1xi32>
    %or3A_22 = arith.ori %select_n3A, %or3A_21 : vector<4x1xi32>
    %ge3A_23 = vector.broadcast %or3A_22 : vector<4x1xi32> to vector<4x8192xi32>
    %ge3A_24 = arith.cmpi sge, %bitcast_convert_type3A, %ge3A_23 : vector<4x8192xi32>
    %convert_element_type3A_25 = arith.extui %ge3A_24 : vector<4x8192xi1> to vector<4x8192xi32>
    %reduce_sum3A_26 = arith.constant dense<0> : vector<4xi32>
    %reduce_sum3A_27 = vector.multi_reduction <add>, %convert_element_type3A_25, %reduce_sum3A_26 [1] : vector<4x8192xi32> to vector<4xi32>
    %broadcast_in_dim3A_28 = vector.shape_cast %reduce_sum3A_27 : vector<4xi32> to vector<4x1xi32>
    %ge3A_29 = arith.constant 256 : i32
    %ge3A_30 = vector.broadcast %ge3A_29 : i32 to vector<4x1xi32>
    %ge3A_31 = arith.cmpi sge, %broadcast_in_dim3A_28, %ge3A_30 : vector<4x1xi32>
    %select_n3A_32 = arith.select %ge3A_31, %or3A_22, %select_n3A : vector<4x1xi1>, vector<4x1xi32>
    %or3A_33 = arith.constant 134217728 : i32
    %or3A_34 = vector.broadcast %or3A_33 : i32 to vector<4x1xi32>
    %or3A_35 = arith.ori %select_n3A_32, %or3A_34 : vector<4x1xi32>
    %ge3A_36 = vector.broadcast %or3A_35 : vector<4x1xi32> to vector<4x8192xi32>
    %ge3A_37 = arith.cmpi sge, %bitcast_convert_type3A, %ge3A_36 : vector<4x8192xi32>
    %convert_element_type3A_38 = arith.extui %ge3A_37 : vector<4x8192xi1> to vector<4x8192xi32>
    %reduce_sum3A_39 = arith.constant dense<0> : vector<4xi32>
    %reduce_sum3A_40 = vector.multi_reduction <add>, %convert_element_type3A_38, %reduce_sum3A_39 [1] : vector<4x8192xi32> to vector<4xi32>
    %broadcast_in_dim3A_41 = vector.shape_cast %reduce_sum3A_40 : vector<4xi32> to vector<4x1xi32>
    %ge3A_42 = arith.constant 256 : i32
    %ge3A_43 = vector.broadcast %ge3A_42 : i32 to vector<4x1xi32>
    %ge3A_44 = arith.cmpi sge, %broadcast_in_dim3A_41, %ge3A_43 : vector<4x1xi32>
    %select_n3A_45 = arith.select %ge3A_44, %or3A_35, %select_n3A_32 : vector<4x1xi1>, vector<4x1xi32>
    %or3A_46 = arith.constant 67108864 : i32
    %or3A_47 = vector.broadcast %or3A_46 : i32 to vector<4x1xi32>
    %or3A_48 = arith.ori %select_n3A_45, %or3A_47 : vector<4x1xi32>
    %ge3A_49 = vector.broadcast %or3A_48 : vector<4x1xi32> to vector<4x8192xi32>
    %ge3A_50 = arith.cmpi sge, %bitcast_convert_type3A, %ge3A_49 : vector<4x8192xi32>
    %convert_element_type3A_51 = arith.extui %ge3A_50 : vector<4x8192xi1> to vector<4x8192xi32>
    %reduce_sum3A_52 = arith.constant dense<0> : vector<4xi32>
    %reduce_sum3A_53 = vector.multi_reduction <add>, %convert_element_type3A_51, %reduce_sum3A_52 [1] : vector<4x8192xi32> to vector<4xi32>
    %broadcast_in_dim3A_54 = vector.shape_cast %reduce_sum3A_53 : vector<4xi32> to vector<4x1xi32>
    %ge3A_55 = arith.constant 256 : i32
    %ge3A_56 = vector.broadcast %ge3A_55 : i32 to vector<4x1xi32>
    %ge3A_57 = arith.cmpi sge, %broadcast_in_dim3A_54, %ge3A_56 : vector<4x1xi32>
    %select_n3A_58 = arith.select %ge3A_57, %or3A_48, %select_n3A_45 : vector<4x1xi1>, vector<4x1xi32>
    %or3A_59 = arith.constant 33554432 : i32
    %or3A_60 = vector.broadcast %or3A_59 : i32 to vector<4x1xi32>
    %or3A_61 = arith.ori %select_n3A_58, %or3A_60 : vector<4x1xi32>
    %ge3A_62 = vector.broadcast %or3A_61 : vector<4x1xi32> to vector<4x8192xi32>
    %ge3A_63 = arith.cmpi sge, %bitcast_convert_type3A, %ge3A_62 : vector<4x8192xi32>
    %convert_element_type3A_64 = arith.extui %ge3A_63 : vector<4x8192xi1> to vector<4x8192xi32>
    %reduce_sum3A_65 = arith.constant dense<0> : vector<4xi32>
    %reduce_sum3A_66 = vector.multi_reduction <add>, %convert_element_type3A_64, %reduce_sum3A_65 [1] : vector<4x8192xi32> to vector<4xi32>
    %broadcast_in_dim3A_67 = vector.shape_cast %reduce_sum3A_66 : vector<4xi32> to vector<4x1xi32>
    %ge3A_68 = arith.constant 256 : i32
    %ge3A_69 = vector.broadcast %ge3A_68 : i32 to vector<4x1xi32>
    %ge3A_70 = arith.cmpi sge, %broadcast_in_dim3A_67, %ge3A_69 : vector<4x1xi32>
    %select_n3A_71 = arith.select %ge3A_70, %or3A_61, %select_n3A_58 : vector<4x1xi1>, vector<4x1xi32>
    %or3A_72 = arith.constant 16777216 : i32
    %or3A_73 = vector.broadcast %or3A_72 : i32 to vector<4x1xi32>
    %or3A_74 = arith.ori %select_n3A_71, %or3A_73 : vector<4x1xi32>
    %ge3A_75 = vector.broadcast %or3A_74 : vector<4x1xi32> to vector<4x8192xi32>
    %ge3A_76 = arith.cmpi sge, %bitcast_convert_type3A, %ge3A_75 : vector<4x8192xi32>
    %convert_element_type3A_77 = arith.extui %ge3A_76 : vector<4x8192xi1> to vector<4x8192xi32>
    %reduce_sum3A_78 = arith.constant dense<0> : vector<4xi32>
    %reduce_sum3A_79 = vector.multi_reduction <add>, %convert_element_type3A_77, %reduce_sum3A_78 [1] : vector<4x8192xi32> to vector<4xi32>
    %broadcast_in_dim3A_80 = vector.shape_cast %reduce_sum3A_79 : vector<4xi32> to vector<4x1xi32>
    %ge3A_81 = arith.constant 256 : i32
    %ge3A_82 = vector.broadcast %ge3A_81 : i32 to vector<4x1xi32>
    %ge3A_83 = arith.cmpi sge, %broadcast_in_dim3A_80, %ge3A_82 : vector<4x1xi32>
    %select_n3A_84 = arith.select %ge3A_83, %or3A_74, %select_n3A_71 : vector<4x1xi1>, vector<4x1xi32>
    %or3A_85 = arith.constant 8388608 : i32
    %or3A_86 = vector.broadcast %or3A_85 : i32 to vector<4x1xi32>
    %or3A_87 = arith.ori %select_n3A_84, %or3A_86 : vector<4x1xi32>
    %ge3A_88 = vector.broadcast %or3A_87 : vector<4x1xi32> to vector<4x8192xi32>
    %ge3A_89 = arith.cmpi sge, %bitcast_convert_type3A, %ge3A_88 : vector<4x8192xi32>
    %convert_element_type3A_90 = arith.extui %ge3A_89 : vector<4x8192xi1> to vector<4x8192xi32>
    %reduce_sum3A_91 = arith.constant dense<0> : vector<4xi32>
    %reduce_sum3A_92 = vector.multi_reduction <add>, %convert_element_type3A_90, %reduce_sum3A_91 [1] : vector<4x8192xi32> to vector<4xi32>
    %broadcast_in_dim3A_93 = vector.shape_cast %reduce_sum3A_92 : vector<4xi32> to vector<4x1xi32>
    %ge3A_94 = arith.constant 256 : i32
    %ge3A_95 = vector.broadcast %ge3A_94 : i32 to vector<4x1xi32>
    %ge3A_96 = arith.cmpi sge, %broadcast_in_dim3A_93, %ge3A_95 : vector<4x1xi32>
    %select_n3A_97 = arith.select %ge3A_96, %or3A_87, %select_n3A_84 : vector<4x1xi1>, vector<4x1xi32>
    %or3A_98 = arith.constant 4194304 : i32
    %or3A_99 = vector.broadcast %or3A_98 : i32 to vector<4x1xi32>
    %or3A_100 = arith.ori %select_n3A_97, %or3A_99 : vector<4x1xi32>
    %ge3A_101 = vector.broadcast %or3A_100 : vector<4x1xi32> to vector<4x8192xi32>
    %ge3A_102 = arith.cmpi sge, %bitcast_convert_type3A, %ge3A_101 : vector<4x8192xi32>
    %convert_element_type3A_103 = arith.extui %ge3A_102 : vector<4x8192xi1> to vector<4x8192xi32>
    %reduce_sum3A_104 = arith.constant dense<0> : vector<4xi32>
    %reduce_sum3A_105 = vector.multi_reduction <add>, %convert_element_type3A_103, %reduce_sum3A_104 [1] : vector<4x8192xi32> to vector<4xi32>
    %broadcast_in_dim3A_106 = vector.shape_cast %reduce_sum3A_105 : vector<4xi32> to vector<4x1xi32>
    %ge3A_107 = arith.constant 256 : i32
    %ge3A_108 = vector.broadcast %ge3A_107 : i32 to vector<4x1xi32>
    %ge3A_109 = arith.cmpi sge, %broadcast_in_dim3A_106, %ge3A_108 : vector<4x1xi32>
    %select_n3A_110 = arith.select %ge3A_109, %or3A_100, %select_n3A_97 : vector<4x1xi1>, vector<4x1xi32>
    %or3A_111 = arith.constant 2097152 : i32
    %or3A_112 = vector.broadcast %or3A_111 : i32 to vector<4x1xi32>
    %or3A_113 = arith.ori %select_n3A_110, %or3A_112 : vector<4x1xi32>
    %ge3A_114 = vector.broadcast %or3A_113 : vector<4x1xi32> to vector<4x8192xi32>
    %ge3A_115 = arith.cmpi sge, %bitcast_convert_type3A, %ge3A_114 : vector<4x8192xi32>
    %convert_element_type3A_116 = arith.extui %ge3A_115 : vector<4x8192xi1> to vector<4x8192xi32>
    %reduce_sum3A_117 = arith.constant dense<0> : vector<4xi32>
    %reduce_sum3A_118 = vector.multi_reduction <add>, %convert_element_type3A_116, %reduce_sum3A_117 [1] : vector<4x8192xi32> to vector<4xi32>
    %broadcast_in_dim3A_119 = vector.shape_cast %reduce_sum3A_118 : vector<4xi32> to vector<4x1xi32>
    %ge3A_120 = arith.constant 256 : i32
    %ge3A_121 = vector.broadcast %ge3A_120 : i32 to vector<4x1xi32>
    %ge3A_122 = arith.cmpi sge, %broadcast_in_dim3A_119, %ge3A_121 : vector<4x1xi32>
    %select_n3A_123 = arith.select %ge3A_122, %or3A_113, %select_n3A_110 : vector<4x1xi1>, vector<4x1xi32>
    %or3A_124 = arith.constant 1048576 : i32
    %or3A_125 = vector.broadcast %or3A_124 : i32 to vector<4x1xi32>
    %or3A_126 = arith.ori %select_n3A_123, %or3A_125 : vector<4x1xi32>
    %ge3A_127 = vector.broadcast %or3A_126 : vector<4x1xi32> to vector<4x8192xi32>
    %ge3A_128 = arith.cmpi sge, %bitcast_convert_type3A, %ge3A_127 : vector<4x8192xi32>
    %convert_element_type3A_129 = arith.extui %ge3A_128 : vector<4x8192xi1> to vector<4x8192xi32>
    %reduce_sum3A_130 = arith.constant dense<0> : vector<4xi32>
    %reduce_sum3A_131 = vector.multi_reduction <add>, %convert_element_type3A_129, %reduce_sum3A_130 [1] : vector<4x8192xi32> to vector<4xi32>
    %broadcast_in_dim3A_132 = vector.shape_cast %reduce_sum3A_131 : vector<4xi32> to vector<4x1xi32>
    %ge3A_133 = arith.constant 256 : i32
    %ge3A_134 = vector.broadcast %ge3A_133 : i32 to vector<4x1xi32>
    %ge3A_135 = arith.cmpi sge, %broadcast_in_dim3A_132, %ge3A_134 : vector<4x1xi32>
    %select_n3A_136 = arith.select %ge3A_135, %or3A_126, %select_n3A_123 : vector<4x1xi1>, vector<4x1xi32>
    %or3A_137 = arith.constant 524288 : i32
    %or3A_138 = vector.broadcast %or3A_137 : i32 to vector<4x1xi32>
    %or3A_139 = arith.ori %select_n3A_136, %or3A_138 : vector<4x1xi32>
    %ge3A_140 = vector.broadcast %or3A_139 : vector<4x1xi32> to vector<4x8192xi32>
    %ge3A_141 = arith.cmpi sge, %bitcast_convert_type3A, %ge3A_140 : vector<4x8192xi32>
    %convert_element_type3A_142 = arith.extui %ge3A_141 : vector<4x8192xi1> to vector<4x8192xi32>
    %reduce_sum3A_143 = arith.constant dense<0> : vector<4xi32>
    %reduce_sum3A_144 = vector.multi_reduction <add>, %convert_element_type3A_142, %reduce_sum3A_143 [1] : vector<4x8192xi32> to vector<4xi32>
    %broadcast_in_dim3A_145 = vector.shape_cast %reduce_sum3A_144 : vector<4xi32> to vector<4x1xi32>
    %ge3A_146 = arith.constant 256 : i32
    %ge3A_147 = vector.broadcast %ge3A_146 : i32 to vector<4x1xi32>
    %ge3A_148 = arith.cmpi sge, %broadcast_in_dim3A_145, %ge3A_147 : vector<4x1xi32>
    %select_n3A_149 = arith.select %ge3A_148, %or3A_139, %select_n3A_136 : vector<4x1xi1>, vector<4x1xi32>
    %or3A_150 = arith.constant 262144 : i32
    %or3A_151 = vector.broadcast %or3A_150 : i32 to vector<4x1xi32>
    %or3A_152 = arith.ori %select_n3A_149, %or3A_151 : vector<4x1xi32>
    %ge3A_153 = vector.broadcast %or3A_152 : vector<4x1xi32> to vector<4x8192xi32>
    %ge3A_154 = arith.cmpi sge, %bitcast_convert_type3A, %ge3A_153 : vector<4x8192xi32>
    %convert_element_type3A_155 = arith.extui %ge3A_154 : vector<4x8192xi1> to vector<4x8192xi32>
    %reduce_sum3A_156 = arith.constant dense<0> : vector<4xi32>
    %reduce_sum3A_157 = vector.multi_reduction <add>, %convert_element_type3A_155, %reduce_sum3A_156 [1] : vector<4x8192xi32> to vector<4xi32>
    %broadcast_in_dim3A_158 = vector.shape_cast %reduce_sum3A_157 : vector<4xi32> to vector<4x1xi32>
    %ge3A_159 = arith.constant 256 : i32
    %ge3A_160 = vector.broadcast %ge3A_159 : i32 to vector<4x1xi32>
    %ge3A_161 = arith.cmpi sge, %broadcast_in_dim3A_158, %ge3A_160 : vector<4x1xi32>
    %select_n3A_162 = arith.select %ge3A_161, %or3A_152, %select_n3A_149 : vector<4x1xi1>, vector<4x1xi32>
    %or3A_163 = arith.constant 131072 : i32
    %or3A_164 = vector.broadcast %or3A_163 : i32 to vector<4x1xi32>
    %or3A_165 = arith.ori %select_n3A_162, %or3A_164 : vector<4x1xi32>
    %ge3A_166 = vector.broadcast %or3A_165 : vector<4x1xi32> to vector<4x8192xi32>
    %ge3A_167 = arith.cmpi sge, %bitcast_convert_type3A, %ge3A_166 : vector<4x8192xi32>
    %convert_element_type3A_168 = arith.extui %ge3A_167 : vector<4x8192xi1> to vector<4x8192xi32>
    %reduce_sum3A_169 = arith.constant dense<0> : vector<4xi32>
    %reduce_sum3A_170 = vector.multi_reduction <add>, %convert_element_type3A_168, %reduce_sum3A_169 [1] : vector<4x8192xi32> to vector<4xi32>
    %broadcast_in_dim3A_171 = vector.shape_cast %reduce_sum3A_170 : vector<4xi32> to vector<4x1xi32>
    %ge3A_172 = arith.constant 256 : i32
    %ge3A_173 = vector.broadcast %ge3A_172 : i32 to vector<4x1xi32>
    %ge3A_174 = arith.cmpi sge, %broadcast_in_dim3A_171, %ge3A_173 : vector<4x1xi32>
    %select_n3A_175 = arith.select %ge3A_174, %or3A_165, %select_n3A_162 : vector<4x1xi1>, vector<4x1xi32>
    %or3A_176 = arith.constant 65536 : i32
    %or3A_177 = vector.broadcast %or3A_176 : i32 to vector<4x1xi32>
    %or3A_178 = arith.ori %select_n3A_175, %or3A_177 : vector<4x1xi32>
    %ge3A_179 = vector.broadcast %or3A_178 : vector<4x1xi32> to vector<4x8192xi32>
    %ge3A_180 = arith.cmpi sge, %bitcast_convert_type3A, %ge3A_179 : vector<4x8192xi32>
    %convert_element_type3A_181 = arith.extui %ge3A_180 : vector<4x8192xi1> to vector<4x8192xi32>
    %reduce_sum3A_182 = arith.constant dense<0> : vector<4xi32>
    %reduce_sum3A_183 = vector.multi_reduction <add>, %convert_element_type3A_181, %reduce_sum3A_182 [1] : vector<4x8192xi32> to vector<4xi32>
    %broadcast_in_dim3A_184 = vector.shape_cast %reduce_sum3A_183 : vector<4xi32> to vector<4x1xi32>
    %ge3A_185 = arith.constant 256 : i32
    %ge3A_186 = vector.broadcast %ge3A_185 : i32 to vector<4x1xi32>
    %ge3A_187 = arith.cmpi sge, %broadcast_in_dim3A_184, %ge3A_186 : vector<4x1xi32>
    %select_n3A_188 = arith.select %ge3A_187, %or3A_178, %select_n3A_175 : vector<4x1xi1>, vector<4x1xi32>
    %or3A_189 = arith.constant 32768 : i32
    %or3A_190 = vector.broadcast %or3A_189 : i32 to vector<4x1xi32>
    %or3A_191 = arith.ori %select_n3A_188, %or3A_190 : vector<4x1xi32>
    %ge3A_192 = vector.broadcast %or3A_191 : vector<4x1xi32> to vector<4x8192xi32>
    %ge3A_193 = arith.cmpi sge, %bitcast_convert_type3A, %ge3A_192 : vector<4x8192xi32>
    %convert_element_type3A_194 = arith.extui %ge3A_193 : vector<4x8192xi1> to vector<4x8192xi32>
    %reduce_sum3A_195 = arith.constant dense<0> : vector<4xi32>
    %reduce_sum3A_196 = vector.multi_reduction <add>, %convert_element_type3A_194, %reduce_sum3A_195 [1] : vector<4x8192xi32> to vector<4xi32>
    %broadcast_in_dim3A_197 = vector.shape_cast %reduce_sum3A_196 : vector<4xi32> to vector<4x1xi32>
    %ge3A_198 = arith.constant 256 : i32
    %ge3A_199 = vector.broadcast %ge3A_198 : i32 to vector<4x1xi32>
    %ge3A_200 = arith.cmpi sge, %broadcast_in_dim3A_197, %ge3A_199 : vector<4x1xi32>
    %select_n3A_201 = arith.select %ge3A_200, %or3A_191, %select_n3A_188 : vector<4x1xi1>, vector<4x1xi32>
    %or3A_202 = arith.constant 16384 : i32
    %or3A_203 = vector.broadcast %or3A_202 : i32 to vector<4x1xi32>
    %or3A_204 = arith.ori %select_n3A_201, %or3A_203 : vector<4x1xi32>
    %ge3A_205 = vector.broadcast %or3A_204 : vector<4x1xi32> to vector<4x8192xi32>
    %ge3A_206 = arith.cmpi sge, %bitcast_convert_type3A, %ge3A_205 : vector<4x8192xi32>
    %convert_element_type3A_207 = arith.extui %ge3A_206 : vector<4x8192xi1> to vector<4x8192xi32>
    %reduce_sum3A_208 = arith.constant dense<0> : vector<4xi32>
    %reduce_sum3A_209 = vector.multi_reduction <add>, %convert_element_type3A_207, %reduce_sum3A_208 [1] : vector<4x8192xi32> to vector<4xi32>
    %broadcast_in_dim3A_210 = vector.shape_cast %reduce_sum3A_209 : vector<4xi32> to vector<4x1xi32>
    %ge3A_211 = arith.constant 256 : i32
    %ge3A_212 = vector.broadcast %ge3A_211 : i32 to vector<4x1xi32>
    %ge3A_213 = arith.cmpi sge, %broadcast_in_dim3A_210, %ge3A_212 : vector<4x1xi32>
    %select_n3A_214 = arith.select %ge3A_213, %or3A_204, %select_n3A_201 : vector<4x1xi1>, vector<4x1xi32>
    %or3A_215 = arith.constant 8192 : i32
    %or3A_216 = vector.broadcast %or3A_215 : i32 to vector<4x1xi32>
    %or3A_217 = arith.ori %select_n3A_214, %or3A_216 : vector<4x1xi32>
    %ge3A_218 = vector.broadcast %or3A_217 : vector<4x1xi32> to vector<4x8192xi32>
    %ge3A_219 = arith.cmpi sge, %bitcast_convert_type3A, %ge3A_218 : vector<4x8192xi32>
    %convert_element_type3A_220 = arith.extui %ge3A_219 : vector<4x8192xi1> to vector<4x8192xi32>
    %reduce_sum3A_221 = arith.constant dense<0> : vector<4xi32>
    %reduce_sum3A_222 = vector.multi_reduction <add>, %convert_element_type3A_220, %reduce_sum3A_221 [1] : vector<4x8192xi32> to vector<4xi32>
    %broadcast_in_dim3A_223 = vector.shape_cast %reduce_sum3A_222 : vector<4xi32> to vector<4x1xi32>
    %ge3A_224 = arith.constant 256 : i32
    %ge3A_225 = vector.broadcast %ge3A_224 : i32 to vector<4x1xi32>
    %ge3A_226 = arith.cmpi sge, %broadcast_in_dim3A_223, %ge3A_225 : vector<4x1xi32>
    %select_n3A_227 = arith.select %ge3A_226, %or3A_217, %select_n3A_214 : vector<4x1xi1>, vector<4x1xi32>
    %or3A_228 = arith.constant 4096 : i32
    %or3A_229 = vector.broadcast %or3A_228 : i32 to vector<4x1xi32>
    %or3A_230 = arith.ori %select_n3A_227, %or3A_229 : vector<4x1xi32>
    %ge3A_231 = vector.broadcast %or3A_230 : vector<4x1xi32> to vector<4x8192xi32>
    %ge3A_232 = arith.cmpi sge, %bitcast_convert_type3A, %ge3A_231 : vector<4x8192xi32>
    %convert_element_type3A_233 = arith.extui %ge3A_232 : vector<4x8192xi1> to vector<4x8192xi32>
    %reduce_sum3A_234 = arith.constant dense<0> : vector<4xi32>
    %reduce_sum3A_235 = vector.multi_reduction <add>, %convert_element_type3A_233, %reduce_sum3A_234 [1] : vector<4x8192xi32> to vector<4xi32>
    %broadcast_in_dim3A_236 = vector.shape_cast %reduce_sum3A_235 : vector<4xi32> to vector<4x1xi32>
    %ge3A_237 = arith.constant 256 : i32
    %ge3A_238 = vector.broadcast %ge3A_237 : i32 to vector<4x1xi32>
    %ge3A_239 = arith.cmpi sge, %broadcast_in_dim3A_236, %ge3A_238 : vector<4x1xi32>
    %select_n3A_240 = arith.select %ge3A_239, %or3A_230, %select_n3A_227 : vector<4x1xi1>, vector<4x1xi32>
    %or3A_241 = arith.constant 2048 : i32
    %or3A_242 = vector.broadcast %or3A_241 : i32 to vector<4x1xi32>
    %or3A_243 = arith.ori %select_n3A_240, %or3A_242 : vector<4x1xi32>
    %ge3A_244 = vector.broadcast %or3A_243 : vector<4x1xi32> to vector<4x8192xi32>
    %ge3A_245 = arith.cmpi sge, %bitcast_convert_type3A, %ge3A_244 : vector<4x8192xi32>
    %convert_element_type3A_246 = arith.extui %ge3A_245 : vector<4x8192xi1> to vector<4x8192xi32>
    %reduce_sum3A_247 = arith.constant dense<0> : vector<4xi32>
    %reduce_sum3A_248 = vector.multi_reduction <add>, %convert_element_type3A_246, %reduce_sum3A_247 [1] : vector<4x8192xi32> to vector<4xi32>
    %broadcast_in_dim3A_249 = vector.shape_cast %reduce_sum3A_248 : vector<4xi32> to vector<4x1xi32>
    %ge3A_250 = arith.constant 256 : i32
    %ge3A_251 = vector.broadcast %ge3A_250 : i32 to vector<4x1xi32>
    %ge3A_252 = arith.cmpi sge, %broadcast_in_dim3A_249, %ge3A_251 : vector<4x1xi32>
    %select_n3A_253 = arith.select %ge3A_252, %or3A_243, %select_n3A_240 : vector<4x1xi1>, vector<4x1xi32>
    %or3A_254 = arith.constant 1024 : i32
    %or3A_255 = vector.broadcast %or3A_254 : i32 to vector<4x1xi32>
    %or3A_256 = arith.ori %select_n3A_253, %or3A_255 : vector<4x1xi32>
    %ge3A_257 = vector.broadcast %or3A_256 : vector<4x1xi32> to vector<4x8192xi32>
    %ge3A_258 = arith.cmpi sge, %bitcast_convert_type3A, %ge3A_257 : vector<4x8192xi32>
    %convert_element_type3A_259 = arith.extui %ge3A_258 : vector<4x8192xi1> to vector<4x8192xi32>
    %reduce_sum3A_260 = arith.constant dense<0> : vector<4xi32>
    %reduce_sum3A_261 = vector.multi_reduction <add>, %convert_element_type3A_259, %reduce_sum3A_260 [1] : vector<4x8192xi32> to vector<4xi32>
    %broadcast_in_dim3A_262 = vector.shape_cast %reduce_sum3A_261 : vector<4xi32> to vector<4x1xi32>
    %ge3A_263 = arith.constant 256 : i32
    %ge3A_264 = vector.broadcast %ge3A_263 : i32 to vector<4x1xi32>
    %ge3A_265 = arith.cmpi sge, %broadcast_in_dim3A_262, %ge3A_264 : vector<4x1xi32>
    %select_n3A_266 = arith.select %ge3A_265, %or3A_256, %select_n3A_253 : vector<4x1xi1>, vector<4x1xi32>
    %or3A_267 = arith.constant 512 : i32
    %or3A_268 = vector.broadcast %or3A_267 : i32 to vector<4x1xi32>
    %or3A_269 = arith.ori %select_n3A_266, %or3A_268 : vector<4x1xi32>
    %ge3A_270 = vector.broadcast %or3A_269 : vector<4x1xi32> to vector<4x8192xi32>
    %ge3A_271 = arith.cmpi sge, %bitcast_convert_type3A, %ge3A_270 : vector<4x8192xi32>
    %convert_element_type3A_272 = arith.extui %ge3A_271 : vector<4x8192xi1> to vector<4x8192xi32>
    %reduce_sum3A_273 = arith.constant dense<0> : vector<4xi32>
    %reduce_sum3A_274 = vector.multi_reduction <add>, %convert_element_type3A_272, %reduce_sum3A_273 [1] : vector<4x8192xi32> to vector<4xi32>
    %broadcast_in_dim3A_275 = vector.shape_cast %reduce_sum3A_274 : vector<4xi32> to vector<4x1xi32>
    %ge3A_276 = arith.constant 256 : i32
    %ge3A_277 = vector.broadcast %ge3A_276 : i32 to vector<4x1xi32>
    %ge3A_278 = arith.cmpi sge, %broadcast_in_dim3A_275, %ge3A_277 : vector<4x1xi32>
    %select_n3A_279 = arith.select %ge3A_278, %or3A_269, %select_n3A_266 : vector<4x1xi1>, vector<4x1xi32>
    %or3A_280 = arith.constant 256 : i32
    %or3A_281 = vector.broadcast %or3A_280 : i32 to vector<4x1xi32>
    %or3A_282 = arith.ori %select_n3A_279, %or3A_281 : vector<4x1xi32>
    %ge3A_283 = vector.broadcast %or3A_282 : vector<4x1xi32> to vector<4x8192xi32>
    %ge3A_284 = arith.cmpi sge, %bitcast_convert_type3A, %ge3A_283 : vector<4x8192xi32>
    %convert_element_type3A_285 = arith.extui %ge3A_284 : vector<4x8192xi1> to vector<4x8192xi32>
    %reduce_sum3A_286 = arith.constant dense<0> : vector<4xi32>
    %reduce_sum3A_287 = vector.multi_reduction <add>, %convert_element_type3A_285, %reduce_sum3A_286 [1] : vector<4x8192xi32> to vector<4xi32>
    %broadcast_in_dim3A_288 = vector.shape_cast %reduce_sum3A_287 : vector<4xi32> to vector<4x1xi32>
    %ge3A_289 = arith.constant 256 : i32
    %ge3A_290 = vector.broadcast %ge3A_289 : i32 to vector<4x1xi32>
    %ge3A_291 = arith.cmpi sge, %broadcast_in_dim3A_288, %ge3A_290 : vector<4x1xi32>
    %select_n3A_292 = arith.select %ge3A_291, %or3A_282, %select_n3A_279 : vector<4x1xi1>, vector<4x1xi32>
    %or3A_293 = arith.constant 128 : i32
    %or3A_294 = vector.broadcast %or3A_293 : i32 to vector<4x1xi32>
    %or3A_295 = arith.ori %select_n3A_292, %or3A_294 : vector<4x1xi32>
    %ge3A_296 = vector.broadcast %or3A_295 : vector<4x1xi32> to vector<4x8192xi32>
    %ge3A_297 = arith.cmpi sge, %bitcast_convert_type3A, %ge3A_296 : vector<4x8192xi32>
    %convert_element_type3A_298 = arith.extui %ge3A_297 : vector<4x8192xi1> to vector<4x8192xi32>
    %reduce_sum3A_299 = arith.constant dense<0> : vector<4xi32>
    %reduce_sum3A_300 = vector.multi_reduction <add>, %convert_element_type3A_298, %reduce_sum3A_299 [1] : vector<4x8192xi32> to vector<4xi32>
    %broadcast_in_dim3A_301 = vector.shape_cast %reduce_sum3A_300 : vector<4xi32> to vector<4x1xi32>
    %ge3A_302 = arith.constant 256 : i32
    %ge3A_303 = vector.broadcast %ge3A_302 : i32 to vector<4x1xi32>
    %ge3A_304 = arith.cmpi sge, %broadcast_in_dim3A_301, %ge3A_303 : vector<4x1xi32>
    %select_n3A_305 = arith.select %ge3A_304, %or3A_295, %select_n3A_292 : vector<4x1xi1>, vector<4x1xi32>
    %or3A_306 = arith.constant 64 : i32
    %or3A_307 = vector.broadcast %or3A_306 : i32 to vector<4x1xi32>
    %or3A_308 = arith.ori %select_n3A_305, %or3A_307 : vector<4x1xi32>
    %ge3A_309 = vector.broadcast %or3A_308 : vector<4x1xi32> to vector<4x8192xi32>
    %ge3A_310 = arith.cmpi sge, %bitcast_convert_type3A, %ge3A_309 : vector<4x8192xi32>
    %convert_element_type3A_311 = arith.extui %ge3A_310 : vector<4x8192xi1> to vector<4x8192xi32>
    %reduce_sum3A_312 = arith.constant dense<0> : vector<4xi32>
    %reduce_sum3A_313 = vector.multi_reduction <add>, %convert_element_type3A_311, %reduce_sum3A_312 [1] : vector<4x8192xi32> to vector<4xi32>
    %broadcast_in_dim3A_314 = vector.shape_cast %reduce_sum3A_313 : vector<4xi32> to vector<4x1xi32>
    %ge3A_315 = arith.constant 256 : i32
    %ge3A_316 = vector.broadcast %ge3A_315 : i32 to vector<4x1xi32>
    %ge3A_317 = arith.cmpi sge, %broadcast_in_dim3A_314, %ge3A_316 : vector<4x1xi32>
    %select_n3A_318 = arith.select %ge3A_317, %or3A_308, %select_n3A_305 : vector<4x1xi1>, vector<4x1xi32>
    %or3A_319 = arith.constant 32 : i32
    %or3A_320 = vector.broadcast %or3A_319 : i32 to vector<4x1xi32>
    %or3A_321 = arith.ori %select_n3A_318, %or3A_320 : vector<4x1xi32>
    %ge3A_322 = vector.broadcast %or3A_321 : vector<4x1xi32> to vector<4x8192xi32>
    %ge3A_323 = arith.cmpi sge, %bitcast_convert_type3A, %ge3A_322 : vector<4x8192xi32>
    %convert_element_type3A_324 = arith.extui %ge3A_323 : vector<4x8192xi1> to vector<4x8192xi32>
    %reduce_sum3A_325 = arith.constant dense<0> : vector<4xi32>
    %reduce_sum3A_326 = vector.multi_reduction <add>, %convert_element_type3A_324, %reduce_sum3A_325 [1] : vector<4x8192xi32> to vector<4xi32>
    %broadcast_in_dim3A_327 = vector.shape_cast %reduce_sum3A_326 : vector<4xi32> to vector<4x1xi32>
    %ge3A_328 = arith.constant 256 : i32
    %ge3A_329 = vector.broadcast %ge3A_328 : i32 to vector<4x1xi32>
    %ge3A_330 = arith.cmpi sge, %broadcast_in_dim3A_327, %ge3A_329 : vector<4x1xi32>
    %select_n3A_331 = arith.select %ge3A_330, %or3A_321, %select_n3A_318 : vector<4x1xi1>, vector<4x1xi32>
    %or3A_332 = arith.constant 16 : i32
    %or3A_333 = vector.broadcast %or3A_332 : i32 to vector<4x1xi32>
    %or3A_334 = arith.ori %select_n3A_331, %or3A_333 : vector<4x1xi32>
    %ge3A_335 = vector.broadcast %or3A_334 : vector<4x1xi32> to vector<4x8192xi32>
    %ge3A_336 = arith.cmpi sge, %bitcast_convert_type3A, %ge3A_335 : vector<4x8192xi32>
    %convert_element_type3A_337 = arith.extui %ge3A_336 : vector<4x8192xi1> to vector<4x8192xi32>
    %reduce_sum3A_338 = arith.constant dense<0> : vector<4xi32>
    %reduce_sum3A_339 = vector.multi_reduction <add>, %convert_element_type3A_337, %reduce_sum3A_338 [1] : vector<4x8192xi32> to vector<4xi32>
    %broadcast_in_dim3A_340 = vector.shape_cast %reduce_sum3A_339 : vector<4xi32> to vector<4x1xi32>
    %ge3A_341 = arith.constant 256 : i32
    %ge3A_342 = vector.broadcast %ge3A_341 : i32 to vector<4x1xi32>
    %ge3A_343 = arith.cmpi sge, %broadcast_in_dim3A_340, %ge3A_342 : vector<4x1xi32>
    %select_n3A_344 = arith.select %ge3A_343, %or3A_334, %select_n3A_331 : vector<4x1xi1>, vector<4x1xi32>
    %or3A_345 = arith.constant 8 : i32
    %or3A_346 = vector.broadcast %or3A_345 : i32 to vector<4x1xi32>
    %or3A_347 = arith.ori %select_n3A_344, %or3A_346 : vector<4x1xi32>
    %ge3A_348 = vector.broadcast %or3A_347 : vector<4x1xi32> to vector<4x8192xi32>
    %ge3A_349 = arith.cmpi sge, %bitcast_convert_type3A, %ge3A_348 : vector<4x8192xi32>
    %convert_element_type3A_350 = arith.extui %ge3A_349 : vector<4x8192xi1> to vector<4x8192xi32>
    %reduce_sum3A_351 = arith.constant dense<0> : vector<4xi32>
    %reduce_sum3A_352 = vector.multi_reduction <add>, %convert_element_type3A_350, %reduce_sum3A_351 [1] : vector<4x8192xi32> to vector<4xi32>
    %broadcast_in_dim3A_353 = vector.shape_cast %reduce_sum3A_352 : vector<4xi32> to vector<4x1xi32>
    %ge3A_354 = arith.constant 256 : i32
    %ge3A_355 = vector.broadcast %ge3A_354 : i32 to vector<4x1xi32>
    %ge3A_356 = arith.cmpi sge, %broadcast_in_dim3A_353, %ge3A_355 : vector<4x1xi32>
    %select_n3A_357 = arith.select %ge3A_356, %or3A_347, %select_n3A_344 : vector<4x1xi1>, vector<4x1xi32>
    %or3A_358 = arith.constant 4 : i32
    %or3A_359 = vector.broadcast %or3A_358 : i32 to vector<4x1xi32>
    %or3A_360 = arith.ori %select_n3A_357, %or3A_359 : vector<4x1xi32>
    %ge3A_361 = vector.broadcast %or3A_360 : vector<4x1xi32> to vector<4x8192xi32>
    %ge3A_362 = arith.cmpi sge, %bitcast_convert_type3A, %ge3A_361 : vector<4x8192xi32>
    %convert_element_type3A_363 = arith.extui %ge3A_362 : vector<4x8192xi1> to vector<4x8192xi32>
    %reduce_sum3A_364 = arith.constant dense<0> : vector<4xi32>
    %reduce_sum3A_365 = vector.multi_reduction <add>, %convert_element_type3A_363, %reduce_sum3A_364 [1] : vector<4x8192xi32> to vector<4xi32>
    %broadcast_in_dim3A_366 = vector.shape_cast %reduce_sum3A_365 : vector<4xi32> to vector<4x1xi32>
    %ge3A_367 = arith.constant 256 : i32
    %ge3A_368 = vector.broadcast %ge3A_367 : i32 to vector<4x1xi32>
    %ge3A_369 = arith.cmpi sge, %broadcast_in_dim3A_366, %ge3A_368 : vector<4x1xi32>
    %select_n3A_370 = arith.select %ge3A_369, %or3A_360, %select_n3A_357 : vector<4x1xi1>, vector<4x1xi32>
    %or3A_371 = arith.constant 2 : i32
    %or3A_372 = vector.broadcast %or3A_371 : i32 to vector<4x1xi32>
    %or3A_373 = arith.ori %select_n3A_370, %or3A_372 : vector<4x1xi32>
    %ge3A_374 = vector.broadcast %or3A_373 : vector<4x1xi32> to vector<4x8192xi32>
    %ge3A_375 = arith.cmpi sge, %bitcast_convert_type3A, %ge3A_374 : vector<4x8192xi32>
    %convert_element_type3A_376 = arith.extui %ge3A_375 : vector<4x8192xi1> to vector<4x8192xi32>
    %reduce_sum3A_377 = arith.constant dense<0> : vector<4xi32>
    %reduce_sum3A_378 = vector.multi_reduction <add>, %convert_element_type3A_376, %reduce_sum3A_377 [1] : vector<4x8192xi32> to vector<4xi32>
    %broadcast_in_dim3A_379 = vector.shape_cast %reduce_sum3A_378 : vector<4xi32> to vector<4x1xi32>
    %ge3A_380 = arith.constant 256 : i32
    %ge3A_381 = vector.broadcast %ge3A_380 : i32 to vector<4x1xi32>
    %ge3A_382 = arith.cmpi sge, %broadcast_in_dim3A_379, %ge3A_381 : vector<4x1xi32>
    %select_n3A_383 = arith.select %ge3A_382, %or3A_373, %select_n3A_370 : vector<4x1xi1>, vector<4x1xi32>
    %or3A_384 = arith.constant 1 : i32
    %or3A_385 = vector.broadcast %or3A_384 : i32 to vector<4x1xi32>
    %or3A_386 = arith.ori %select_n3A_383, %or3A_385 : vector<4x1xi32>
    %ge3A_387 = vector.broadcast %or3A_386 : vector<4x1xi32> to vector<4x8192xi32>
    %ge3A_388 = arith.cmpi sge, %bitcast_convert_type3A, %ge3A_387 : vector<4x8192xi32>
    %convert_element_type3A_389 = arith.extui %ge3A_388 : vector<4x8192xi1> to vector<4x8192xi32>
    %reduce_sum3A_390 = arith.constant dense<0> : vector<4xi32>
    %reduce_sum3A_391 = vector.multi_reduction <add>, %convert_element_type3A_389, %reduce_sum3A_390 [1] : vector<4x8192xi32> to vector<4xi32>
    %broadcast_in_dim3A_392 = vector.shape_cast %reduce_sum3A_391 : vector<4xi32> to vector<4x1xi32>
    %ge3A_393 = arith.constant 256 : i32
    %ge3A_394 = vector.broadcast %ge3A_393 : i32 to vector<4x1xi32>
    %ge3A_395 = arith.cmpi sge, %broadcast_in_dim3A_392, %ge3A_394 : vector<4x1xi32>
    %select_n3A_396 = arith.select %ge3A_395, %or3A_386, %select_n3A_383 : vector<4x1xi1>, vector<4x1xi32>
    %ge3A_397 = vector.broadcast %select_n3A_396 : vector<4x1xi32> to vector<4x8192xi32>
    %ge3A_398 = arith.cmpi sge, %bitcast_convert_type3A, %ge3A_397 : vector<4x8192xi32>
    %convert_element_type3A_399 = arith.extui %ge3A_398 : vector<4x8192xi1> to vector<4x8192xi32>
    %convert_element_type3A_400 = arith.sitofp %convert_element_type3A_399 : vector<4x8192xi32> to vector<4x8192xf32>
    %iota3A = tpu.iota {dimensions = array<i32: 0>} : vector<4x4xi32>
    %iota3A_401 = tpu.iota {dimensions = array<i32: 1>} : vector<4x4xi32>
    %eq3A = arith.cmpi eq, %iota3A, %iota3A_401 : vector<4x4xi32>
    %convert_element_type3A_402 = arith.extui %eq3A : vector<4x4xi1> to vector<4x4xi32>
    %convert_element_type3A_403 = arith.sitofp %convert_element_type3A_402 : vector<4x4xi32> to vector<4x4xf32>
    %iota3A_404 = tpu.iota {dimensions = array<i32: 0>} : vector<512x512xi32>
    %iota3A_405 = tpu.iota {dimensions = array<i32: 1>} : vector<512x512xi32>
    %gt3A = arith.cmpi sgt, %iota3A_404, %iota3A_405 : vector<512x512xi32>
    %convert_element_type3A_406 = arith.extui %gt3A : vector<512x512xi1> to vector<512x512xi32>
    %convert_element_type3A_407 = arith.sitofp %convert_element_type3A_406 : vector<512x512xi32> to vector<512x512xf32>
    %iota3A_408 = tpu.iota {dimensions = array<i32: 1>} : vector<512x256xi32>
    %convert_element_type3A_409 = arith.sitofp %iota3A_408 : vector<512x256xi32> to vector<512x256xf32>
    %iota3A_410 = tpu.iota {dimensions = array<i32: 1>} : vector<4x8192xi32>
    %convert_element_type3A_411 = arith.sitofp %iota3A_410 : vector<4x8192xi32> to vector<4x8192xf32>
    %iota3A_412 = tpu.iota {dimensions = array<i32: 1>} : vector<8192x128xi32>
    %convert_element_type3A_413 = arith.sitofp %iota3A_412 : vector<8192x128xi32> to vector<8192x128xf32>
    %dot_general3A = arith.constant dense<0.000000e+00> : vector<8192x4xf32>
    %dot_general3A_414 = tpu.matmul %convert_element_type3A_400, %convert_element_type3A_403, %dot_general3A {dimension_numbers = #tpu.dot_dimension_numbers<[0], [0], [1], [1], [0, 1, 1, 1], [], []>, transpose_lhs_hint = false} : vector<4x8192xf32>, vector<4x4xf32>, vector<8192x4xf32> -> vector<8192x4xf32>
    %broadcast_in_dim3A_415 = arith.constant 0.000000e+00 : f32
    %broadcast_in_dim3A_416 = vector.broadcast %broadcast_in_dim3A_415 : f32 to vector<1x4xf32>
    %slice3A = vector.extract_strided_slice %dot_general3A_414 {offsets = [0, 0], sizes = [512, 4], strides = [1, 1]} : vector<8192x4xf32> to vector<512x4xf32>
    %dot_general3A_417 = arith.constant dense<0.000000e+00> : vector<512x4xf32>
    %dot_general3A_418 = tpu.matmul %convert_element_type3A_407, %slice3A, %dot_general3A_417 {dimension_numbers = #tpu.dot_dimension_numbers<[1], [0], [0], [1], [0, 0, 1, 1], [], []>, transpose_lhs_hint = false} : vector<512x512xf32>, vector<512x4xf32>, vector<512x4xf32> -> vector<512x4xf32>
    %add3A = vector.broadcast %broadcast_in_dim3A_416 : vector<1x4xf32> to vector<512x4xf32>
    %add3A_419 = arith.addf %dot_general3A_418, %add3A : vector<512x4xf32>
    %reduce_sum3A_420 = arith.constant dense<0.000000e+00> : vector<4xf32>
    %reduce_sum3A_421 = vector.multi_reduction <add>, %slice3A, %reduce_sum3A_420 [0] : vector<512x4xf32> to vector<4xf32>
    %broadcast_in_dim3A_422 = vector.shape_cast %reduce_sum3A_421 : vector<4xf32> to vector<1x4xf32>
    %add3A_423 = arith.addf %broadcast_in_dim3A_416, %broadcast_in_dim3A_422 : vector<1x4xf32>
    %slice3A_424 = vector.extract_strided_slice %dot_general3A_414 {offsets = [512, 0], sizes = [512, 4], strides = [1, 1]} : vector<8192x4xf32> to vector<512x4xf32>
    %dot_general3A_425 = arith.constant dense<0.000000e+00> : vector<512x4xf32>
    %dot_general3A_426 = tpu.matmul %convert_element_type3A_407, %slice3A_424, %dot_general3A_425 {dimension_numbers = #tpu.dot_dimension_numbers<[1], [0], [0], [1], [0, 0, 1, 1], [], []>, transpose_lhs_hint = false} : vector<512x512xf32>, vector<512x4xf32>, vector<512x4xf32> -> vector<512x4xf32>
    %add3A_427 = vector.broadcast %add3A_423 : vector<1x4xf32> to vector<512x4xf32>
    %add3A_428 = arith.addf %dot_general3A_426, %add3A_427 : vector<512x4xf32>
    %reduce_sum3A_429 = arith.constant dense<0.000000e+00> : vector<4xf32>
    %reduce_sum3A_430 = vector.multi_reduction <add>, %slice3A_424, %reduce_sum3A_429 [0] : vector<512x4xf32> to vector<4xf32>
    %broadcast_in_dim3A_431 = vector.shape_cast %reduce_sum3A_430 : vector<4xf32> to vector<1x4xf32>
    %add3A_432 = arith.addf %add3A_423, %broadcast_in_dim3A_431 : vector<1x4xf32>
    %slice3A_433 = vector.extract_strided_slice %dot_general3A_414 {offsets = [1024, 0], sizes = [512, 4], strides = [1, 1]} : vector<8192x4xf32> to vector<512x4xf32>
    %dot_general3A_434 = arith.constant dense<0.000000e+00> : vector<512x4xf32>
    %dot_general3A_435 = tpu.matmul %convert_element_type3A_407, %slice3A_433, %dot_general3A_434 {dimension_numbers = #tpu.dot_dimension_numbers<[1], [0], [0], [1], [0, 0, 1, 1], [], []>, transpose_lhs_hint = false} : vector<512x512xf32>, vector<512x4xf32>, vector<512x4xf32> -> vector<512x4xf32>
    %add3A_436 = vector.broadcast %add3A_432 : vector<1x4xf32> to vector<512x4xf32>
    %add3A_437 = arith.addf %dot_general3A_435, %add3A_436 : vector<512x4xf32>
    %reduce_sum3A_438 = arith.constant dense<0.000000e+00> : vector<4xf32>
    %reduce_sum3A_439 = vector.multi_reduction <add>, %slice3A_433, %reduce_sum3A_438 [0] : vector<512x4xf32> to vector<4xf32>
    %broadcast_in_dim3A_440 = vector.shape_cast %reduce_sum3A_439 : vector<4xf32> to vector<1x4xf32>
    %add3A_441 = arith.addf %add3A_432, %broadcast_in_dim3A_440 : vector<1x4xf32>
    %slice3A_442 = vector.extract_strided_slice %dot_general3A_414 {offsets = [1536, 0], sizes = [512, 4], strides = [1, 1]} : vector<8192x4xf32> to vector<512x4xf32>
    %dot_general3A_443 = arith.constant dense<0.000000e+00> : vector<512x4xf32>
    %dot_general3A_444 = tpu.matmul %convert_element_type3A_407, %slice3A_442, %dot_general3A_443 {dimension_numbers = #tpu.dot_dimension_numbers<[1], [0], [0], [1], [0, 0, 1, 1], [], []>, transpose_lhs_hint = false} : vector<512x512xf32>, vector<512x4xf32>, vector<512x4xf32> -> vector<512x4xf32>
    %add3A_445 = vector.broadcast %add3A_441 : vector<1x4xf32> to vector<512x4xf32>
    %add3A_446 = arith.addf %dot_general3A_444, %add3A_445 : vector<512x4xf32>
    %reduce_sum3A_447 = arith.constant dense<0.000000e+00> : vector<4xf32>
    %reduce_sum3A_448 = vector.multi_reduction <add>, %slice3A_442, %reduce_sum3A_447 [0] : vector<512x4xf32> to vector<4xf32>
    %broadcast_in_dim3A_449 = vector.shape_cast %reduce_sum3A_448 : vector<4xf32> to vector<1x4xf32>
    %add3A_450 = arith.addf %add3A_441, %broadcast_in_dim3A_449 : vector<1x4xf32>
    %slice3A_451 = vector.extract_strided_slice %dot_general3A_414 {offsets = [2048, 0], sizes = [512, 4], strides = [1, 1]} : vector<8192x4xf32> to vector<512x4xf32>
    %dot_general3A_452 = arith.constant dense<0.000000e+00> : vector<512x4xf32>
    %dot_general3A_453 = tpu.matmul %convert_element_type3A_407, %slice3A_451, %dot_general3A_452 {dimension_numbers = #tpu.dot_dimension_numbers<[1], [0], [0], [1], [0, 0, 1, 1], [], []>, transpose_lhs_hint = false} : vector<512x512xf32>, vector<512x4xf32>, vector<512x4xf32> -> vector<512x4xf32>
    %add3A_454 = vector.broadcast %add3A_450 : vector<1x4xf32> to vector<512x4xf32>
    %add3A_455 = arith.addf %dot_general3A_453, %add3A_454 : vector<512x4xf32>
    %reduce_sum3A_456 = arith.constant dense<0.000000e+00> : vector<4xf32>
    %reduce_sum3A_457 = vector.multi_reduction <add>, %slice3A_451, %reduce_sum3A_456 [0] : vector<512x4xf32> to vector<4xf32>
    %broadcast_in_dim3A_458 = vector.shape_cast %reduce_sum3A_457 : vector<4xf32> to vector<1x4xf32>
    %add3A_459 = arith.addf %add3A_450, %broadcast_in_dim3A_458 : vector<1x4xf32>
    %slice3A_460 = vector.extract_strided_slice %dot_general3A_414 {offsets = [2560, 0], sizes = [512, 4], strides = [1, 1]} : vector<8192x4xf32> to vector<512x4xf32>
    %dot_general3A_461 = arith.constant dense<0.000000e+00> : vector<512x4xf32>
    %dot_general3A_462 = tpu.matmul %convert_element_type3A_407, %slice3A_460, %dot_general3A_461 {dimension_numbers = #tpu.dot_dimension_numbers<[1], [0], [0], [1], [0, 0, 1, 1], [], []>, transpose_lhs_hint = false} : vector<512x512xf32>, vector<512x4xf32>, vector<512x4xf32> -> vector<512x4xf32>
    %add3A_463 = vector.broadcast %add3A_459 : vector<1x4xf32> to vector<512x4xf32>
    %add3A_464 = arith.addf %dot_general3A_462, %add3A_463 : vector<512x4xf32>
    %reduce_sum3A_465 = arith.constant dense<0.000000e+00> : vector<4xf32>
    %reduce_sum3A_466 = vector.multi_reduction <add>, %slice3A_460, %reduce_sum3A_465 [0] : vector<512x4xf32> to vector<4xf32>
    %broadcast_in_dim3A_467 = vector.shape_cast %reduce_sum3A_466 : vector<4xf32> to vector<1x4xf32>
    %add3A_468 = arith.addf %add3A_459, %broadcast_in_dim3A_467 : vector<1x4xf32>
    %slice3A_469 = vector.extract_strided_slice %dot_general3A_414 {offsets = [3072, 0], sizes = [512, 4], strides = [1, 1]} : vector<8192x4xf32> to vector<512x4xf32>
    %dot_general3A_470 = arith.constant dense<0.000000e+00> : vector<512x4xf32>
    %dot_general3A_471 = tpu.matmul %convert_element_type3A_407, %slice3A_469, %dot_general3A_470 {dimension_numbers = #tpu.dot_dimension_numbers<[1], [0], [0], [1], [0, 0, 1, 1], [], []>, transpose_lhs_hint = false} : vector<512x512xf32>, vector<512x4xf32>, vector<512x4xf32> -> vector<512x4xf32>
    %add3A_472 = vector.broadcast %add3A_468 : vector<1x4xf32> to vector<512x4xf32>
    %add3A_473 = arith.addf %dot_general3A_471, %add3A_472 : vector<512x4xf32>
    %reduce_sum3A_474 = arith.constant dense<0.000000e+00> : vector<4xf32>
    %reduce_sum3A_475 = vector.multi_reduction <add>, %slice3A_469, %reduce_sum3A_474 [0] : vector<512x4xf32> to vector<4xf32>
    %broadcast_in_dim3A_476 = vector.shape_cast %reduce_sum3A_475 : vector<4xf32> to vector<1x4xf32>
    %add3A_477 = arith.addf %add3A_468, %broadcast_in_dim3A_476 : vector<1x4xf32>
    %slice3A_478 = vector.extract_strided_slice %dot_general3A_414 {offsets = [3584, 0], sizes = [512, 4], strides = [1, 1]} : vector<8192x4xf32> to vector<512x4xf32>
    %dot_general3A_479 = arith.constant dense<0.000000e+00> : vector<512x4xf32>
    %dot_general3A_480 = tpu.matmul %convert_element_type3A_407, %slice3A_478, %dot_general3A_479 {dimension_numbers = #tpu.dot_dimension_numbers<[1], [0], [0], [1], [0, 0, 1, 1], [], []>, transpose_lhs_hint = false} : vector<512x512xf32>, vector<512x4xf32>, vector<512x4xf32> -> vector<512x4xf32>
    %add3A_481 = vector.broadcast %add3A_477 : vector<1x4xf32> to vector<512x4xf32>
    %add3A_482 = arith.addf %dot_general3A_480, %add3A_481 : vector<512x4xf32>
    %reduce_sum3A_483 = arith.constant dense<0.000000e+00> : vector<4xf32>
    %reduce_sum3A_484 = vector.multi_reduction <add>, %slice3A_478, %reduce_sum3A_483 [0] : vector<512x4xf32> to vector<4xf32>
    %broadcast_in_dim3A_485 = vector.shape_cast %reduce_sum3A_484 : vector<4xf32> to vector<1x4xf32>
    %add3A_486 = arith.addf %add3A_477, %broadcast_in_dim3A_485 : vector<1x4xf32>
    %slice3A_487 = vector.extract_strided_slice %dot_general3A_414 {offsets = [4096, 0], sizes = [512, 4], strides = [1, 1]} : vector<8192x4xf32> to vector<512x4xf32>
    %dot_general3A_488 = arith.constant dense<0.000000e+00> : vector<512x4xf32>
    %dot_general3A_489 = tpu.matmul %convert_element_type3A_407, %slice3A_487, %dot_general3A_488 {dimension_numbers = #tpu.dot_dimension_numbers<[1], [0], [0], [1], [0, 0, 1, 1], [], []>, transpose_lhs_hint = false} : vector<512x512xf32>, vector<512x4xf32>, vector<512x4xf32> -> vector<512x4xf32>
    %add3A_490 = vector.broadcast %add3A_486 : vector<1x4xf32> to vector<512x4xf32>
    %add3A_491 = arith.addf %dot_general3A_489, %add3A_490 : vector<512x4xf32>
    %reduce_sum3A_492 = arith.constant dense<0.000000e+00> : vector<4xf32>
    %reduce_sum3A_493 = vector.multi_reduction <add>, %slice3A_487, %reduce_sum3A_492 [0] : vector<512x4xf32> to vector<4xf32>
    %broadcast_in_dim3A_494 = vector.shape_cast %reduce_sum3A_493 : vector<4xf32> to vector<1x4xf32>
    %add3A_495 = arith.addf %add3A_486, %broadcast_in_dim3A_494 : vector<1x4xf32>
    %slice3A_496 = vector.extract_strided_slice %dot_general3A_414 {offsets = [4608, 0], sizes = [512, 4], strides = [1, 1]} : vector<8192x4xf32> to vector<512x4xf32>
    %dot_general3A_497 = arith.constant dense<0.000000e+00> : vector<512x4xf32>
    %dot_general3A_498 = tpu.matmul %convert_element_type3A_407, %slice3A_496, %dot_general3A_497 {dimension_numbers = #tpu.dot_dimension_numbers<[1], [0], [0], [1], [0, 0, 1, 1], [], []>, transpose_lhs_hint = false} : vector<512x512xf32>, vector<512x4xf32>, vector<512x4xf32> -> vector<512x4xf32>
    %add3A_499 = vector.broadcast %add3A_495 : vector<1x4xf32> to vector<512x4xf32>
    %add3A_500 = arith.addf %dot_general3A_498, %add3A_499 : vector<512x4xf32>
    %reduce_sum3A_501 = arith.constant dense<0.000000e+00> : vector<4xf32>
    %reduce_sum3A_502 = vector.multi_reduction <add>, %slice3A_496, %reduce_sum3A_501 [0] : vector<512x4xf32> to vector<4xf32>
    %broadcast_in_dim3A_503 = vector.shape_cast %reduce_sum3A_502 : vector<4xf32> to vector<1x4xf32>
    %add3A_504 = arith.addf %add3A_495, %broadcast_in_dim3A_503 : vector<1x4xf32>
    %slice3A_505 = vector.extract_strided_slice %dot_general3A_414 {offsets = [5120, 0], sizes = [512, 4], strides = [1, 1]} : vector<8192x4xf32> to vector<512x4xf32>
    %dot_general3A_506 = arith.constant dense<0.000000e+00> : vector<512x4xf32>
    %dot_general3A_507 = tpu.matmul %convert_element_type3A_407, %slice3A_505, %dot_general3A_506 {dimension_numbers = #tpu.dot_dimension_numbers<[1], [0], [0], [1], [0, 0, 1, 1], [], []>, transpose_lhs_hint = false} : vector<512x512xf32>, vector<512x4xf32>, vector<512x4xf32> -> vector<512x4xf32>
    %add3A_508 = vector.broadcast %add3A_504 : vector<1x4xf32> to vector<512x4xf32>
    %add3A_509 = arith.addf %dot_general3A_507, %add3A_508 : vector<512x4xf32>
    %reduce_sum3A_510 = arith.constant dense<0.000000e+00> : vector<4xf32>
    %reduce_sum3A_511 = vector.multi_reduction <add>, %slice3A_505, %reduce_sum3A_510 [0] : vector<512x4xf32> to vector<4xf32>
    %broadcast_in_dim3A_512 = vector.shape_cast %reduce_sum3A_511 : vector<4xf32> to vector<1x4xf32>
    %add3A_513 = arith.addf %add3A_504, %broadcast_in_dim3A_512 : vector<1x4xf32>
    %slice3A_514 = vector.extract_strided_slice %dot_general3A_414 {offsets = [5632, 0], sizes = [512, 4], strides = [1, 1]} : vector<8192x4xf32> to vector<512x4xf32>
    %dot_general3A_515 = arith.constant dense<0.000000e+00> : vector<512x4xf32>
    %dot_general3A_516 = tpu.matmul %convert_element_type3A_407, %slice3A_514, %dot_general3A_515 {dimension_numbers = #tpu.dot_dimension_numbers<[1], [0], [0], [1], [0, 0, 1, 1], [], []>, transpose_lhs_hint = false} : vector<512x512xf32>, vector<512x4xf32>, vector<512x4xf32> -> vector<512x4xf32>
    %add3A_517 = vector.broadcast %add3A_513 : vector<1x4xf32> to vector<512x4xf32>
    %add3A_518 = arith.addf %dot_general3A_516, %add3A_517 : vector<512x4xf32>
    %reduce_sum3A_519 = arith.constant dense<0.000000e+00> : vector<4xf32>
    %reduce_sum3A_520 = vector.multi_reduction <add>, %slice3A_514, %reduce_sum3A_519 [0] : vector<512x4xf32> to vector<4xf32>
    %broadcast_in_dim3A_521 = vector.shape_cast %reduce_sum3A_520 : vector<4xf32> to vector<1x4xf32>
    %add3A_522 = arith.addf %add3A_513, %broadcast_in_dim3A_521 : vector<1x4xf32>
    %slice3A_523 = vector.extract_strided_slice %dot_general3A_414 {offsets = [6144, 0], sizes = [512, 4], strides = [1, 1]} : vector<8192x4xf32> to vector<512x4xf32>
    %dot_general3A_524 = arith.constant dense<0.000000e+00> : vector<512x4xf32>
    %dot_general3A_525 = tpu.matmul %convert_element_type3A_407, %slice3A_523, %dot_general3A_524 {dimension_numbers = #tpu.dot_dimension_numbers<[1], [0], [0], [1], [0, 0, 1, 1], [], []>, transpose_lhs_hint = false} : vector<512x512xf32>, vector<512x4xf32>, vector<512x4xf32> -> vector<512x4xf32>
    %add3A_526 = vector.broadcast %add3A_522 : vector<1x4xf32> to vector<512x4xf32>
    %add3A_527 = arith.addf %dot_general3A_525, %add3A_526 : vector<512x4xf32>
    %reduce_sum3A_528 = arith.constant dense<0.000000e+00> : vector<4xf32>
    %reduce_sum3A_529 = vector.multi_reduction <add>, %slice3A_523, %reduce_sum3A_528 [0] : vector<512x4xf32> to vector<4xf32>
    %broadcast_in_dim3A_530 = vector.shape_cast %reduce_sum3A_529 : vector<4xf32> to vector<1x4xf32>
    %add3A_531 = arith.addf %add3A_522, %broadcast_in_dim3A_530 : vector<1x4xf32>
    %slice3A_532 = vector.extract_strided_slice %dot_general3A_414 {offsets = [6656, 0], sizes = [512, 4], strides = [1, 1]} : vector<8192x4xf32> to vector<512x4xf32>
    %dot_general3A_533 = arith.constant dense<0.000000e+00> : vector<512x4xf32>
    %dot_general3A_534 = tpu.matmul %convert_element_type3A_407, %slice3A_532, %dot_general3A_533 {dimension_numbers = #tpu.dot_dimension_numbers<[1], [0], [0], [1], [0, 0, 1, 1], [], []>, transpose_lhs_hint = false} : vector<512x512xf32>, vector<512x4xf32>, vector<512x4xf32> -> vector<512x4xf32>
    %add3A_535 = vector.broadcast %add3A_531 : vector<1x4xf32> to vector<512x4xf32>
    %add3A_536 = arith.addf %dot_general3A_534, %add3A_535 : vector<512x4xf32>
    %reduce_sum3A_537 = arith.constant dense<0.000000e+00> : vector<4xf32>
    %reduce_sum3A_538 = vector.multi_reduction <add>, %slice3A_532, %reduce_sum3A_537 [0] : vector<512x4xf32> to vector<4xf32>
    %broadcast_in_dim3A_539 = vector.shape_cast %reduce_sum3A_538 : vector<4xf32> to vector<1x4xf32>
    %add3A_540 = arith.addf %add3A_531, %broadcast_in_dim3A_539 : vector<1x4xf32>
    %slice3A_541 = vector.extract_strided_slice %dot_general3A_414 {offsets = [7168, 0], sizes = [512, 4], strides = [1, 1]} : vector<8192x4xf32> to vector<512x4xf32>
    %dot_general3A_542 = arith.constant dense<0.000000e+00> : vector<512x4xf32>
    %dot_general3A_543 = tpu.matmul %convert_element_type3A_407, %slice3A_541, %dot_general3A_542 {dimension_numbers = #tpu.dot_dimension_numbers<[1], [0], [0], [1], [0, 0, 1, 1], [], []>, transpose_lhs_hint = false} : vector<512x512xf32>, vector<512x4xf32>, vector<512x4xf32> -> vector<512x4xf32>
    %add3A_544 = vector.broadcast %add3A_540 : vector<1x4xf32> to vector<512x4xf32>
    %add3A_545 = arith.addf %dot_general3A_543, %add3A_544 : vector<512x4xf32>
    %reduce_sum3A_546 = arith.constant dense<0.000000e+00> : vector<4xf32>
    %reduce_sum3A_547 = vector.multi_reduction <add>, %slice3A_541, %reduce_sum3A_546 [0] : vector<512x4xf32> to vector<4xf32>
    %broadcast_in_dim3A_548 = vector.shape_cast %reduce_sum3A_547 : vector<4xf32> to vector<1x4xf32>
    %add3A_549 = arith.addf %add3A_540, %broadcast_in_dim3A_548 : vector<1x4xf32>
    %slice3A_550 = vector.extract_strided_slice %dot_general3A_414 {offsets = [7680, 0], sizes = [512, 4], strides = [1, 1]} : vector<8192x4xf32> to vector<512x4xf32>
    %dot_general3A_551 = arith.constant dense<0.000000e+00> : vector<512x4xf32>
    %dot_general3A_552 = tpu.matmul %convert_element_type3A_407, %slice3A_550, %dot_general3A_551 {dimension_numbers = #tpu.dot_dimension_numbers<[1], [0], [0], [1], [0, 0, 1, 1], [], []>, transpose_lhs_hint = false} : vector<512x512xf32>, vector<512x4xf32>, vector<512x4xf32> -> vector<512x4xf32>
    %add3A_553 = vector.broadcast %add3A_549 : vector<1x4xf32> to vector<512x4xf32>
    %add3A_554 = arith.addf %dot_general3A_552, %add3A_553 : vector<512x4xf32>
    %concatenate3A = tpu.concatenate %add3A_419, %add3A_428, %add3A_437, %add3A_446, %add3A_455, %add3A_464, %add3A_473, %add3A_482, %add3A_491, %add3A_500, %add3A_509, %add3A_518, %add3A_527, %add3A_536, %add3A_545, %add3A_554 in 0 : vector<512x4xf32>, vector<512x4xf32>, vector<512x4xf32>, vector<512x4xf32>, vector<512x4xf32>, vector<512x4xf32>, vector<512x4xf32>, vector<512x4xf32>, vector<512x4xf32>, vector<512x4xf32>, vector<512x4xf32>, vector<512x4xf32>, vector<512x4xf32>, vector<512x4xf32>, vector<512x4xf32>, vector<512x4xf32> -> vector<8192x4xf32>
    %dot_general3A_555 = arith.constant dense<0.000000e+00> : vector<4x8192xf32>
    %dot_general3A_556 = tpu.matmul %convert_element_type3A_403, %concatenate3A, %dot_general3A_555 {dimension_numbers = #tpu.dot_dimension_numbers<[1], [1], [0], [0], [0, 0, 1, 0], [], []>, precision = #tpu.contract_precision<fp32>, transpose_lhs_hint = false} : vector<4x4xf32>, vector<8192x4xf32>, vector<4x8192xf32> -> vector<4x8192xf32>
    %mul3A = arith.constant 7.812500e-03 : f32
    %mul3A_557 = vector.broadcast %mul3A : f32 to vector<4x8192xf32>
    %mul3A_558 = arith.mulf %dot_general3A_556, %mul3A_557 : vector<4x8192xf32>
    %floor3A = math.floor %mul3A_558 : vector<4x8192xf32>
    %mul3A_559 = arith.constant 7.812500e-03 : f32
    %mul3A_560 = vector.broadcast %mul3A_559 : f32 to vector<8192x4xf32>
    %mul3A_561 = arith.mulf %concatenate3A, %mul3A_560 : vector<8192x4xf32>
    %floor3A_562 = math.floor %mul3A_561 : vector<8192x4xf32>
    %mul3A_563 = arith.constant 1.280000e+02 : f32
    %mul3A_564 = vector.broadcast %mul3A_563 : f32 to vector<8192x4xf32>
    %mul3A_565 = arith.mulf %mul3A_564, %floor3A_562 : vector<8192x4xf32>
    %sub3A_566 = arith.subf %concatenate3A, %mul3A_565 : vector<8192x4xf32>
    %slice3A_567 = vector.extract_strided_slice %sub3A_566 {offsets = [0, 0], sizes = [8192, 1], strides = [1, 1]} : vector<8192x4xf32> to vector<8192x1xf32>
    %slice3A_568 = vector.extract_strided_slice %dot_general3A_414 {offsets = [0, 0], sizes = [8192, 1], strides = [1, 1]} : vector<8192x4xf32> to vector<8192x1xf32>
    %sub3A_569 = arith.constant 1.000000e+00 : f32
    %sub3A_570 = vector.broadcast %sub3A_569 : f32 to vector<8192x1xf32>
    %sub3A_571 = arith.subf %sub3A_570, %slice3A_568 : vector<8192x1xf32>
    %mul3A_572 = arith.constant 1.024000e+03 : f32
    %mul3A_573 = vector.broadcast %mul3A_572 : f32 to vector<8192x1xf32>
    %mul3A_574 = arith.mulf %sub3A_571, %mul3A_573 : vector<8192x1xf32>
    %add3A_575 = arith.addf %slice3A_567, %mul3A_574 : vector<8192x1xf32>
    %eq3A_576 = vector.broadcast %add3A_575 : vector<8192x1xf32> to vector<8192x128xf32>
    %eq3A_577 = arith.cmpf oeq, %eq3A_576, %convert_element_type3A_413 : vector<8192x128xf32>
    %convert_element_type3A_578 = arith.extui %eq3A_577 : vector<8192x128xi1> to vector<8192x128xi32>
    %convert_element_type3A_579 = arith.sitofp %convert_element_type3A_578 : vector<8192x128xi32> to vector<8192x128xf32>
    %slice3A_580 = vector.extract_strided_slice %floor3A {offsets = [0, 0], sizes = [1, 8192], strides = [1, 1]} : vector<4x8192xf32> to vector<1x8192xf32>
    %eq3A_581 = arith.constant 0.000000e+00 : f32
    %eq3A_582 = vector.broadcast %eq3A_581 : f32 to vector<1x8192xf32>
    %eq3A_583 = arith.cmpf oeq, %slice3A_580, %eq3A_582 : vector<1x8192xf32>
    %slice3A_584 = vector.extract_strided_slice %ge3A_398 {offsets = [0, 0], sizes = [1, 8192], strides = [1, 1]} : vector<4x8192xi1> to vector<1x8192xi1>
    %and3A = arith.andi %eq3A_583, %slice3A_584 : vector<1x8192xi1>
    %convert_element_type3A_585 = arith.extui %and3A : vector<1x8192xi1> to vector<1x8192xi32>
    %convert_element_type3A_586 = arith.sitofp %convert_element_type3A_585 : vector<1x8192xi32> to vector<1x8192xf32>
    %slice3A_587 = vector.extract_strided_slice %div3A_6 {offsets = [0, 0], sizes = [1, 8192], strides = [1, 1]} : vector<4x8192xf32> to vector<1x8192xf32>
    %mul3A_588 = arith.mulf %slice3A_587, %convert_element_type3A_586 : vector<1x8192xf32>
    %slice3A_589 = vector.extract_strided_slice %floor3A {offsets = [0, 0], sizes = [1, 8192], strides = [1, 1]} : vector<4x8192xf32> to vector<1x8192xf32>
    %eq3A_590 = arith.constant 1.000000e+00 : f32
    %eq3A_591 = vector.broadcast %eq3A_590 : f32 to vector<1x8192xf32>
    %eq3A_592 = arith.cmpf oeq, %slice3A_589, %eq3A_591 : vector<1x8192xf32>
    %slice3A_593 = vector.extract_strided_slice %ge3A_398 {offsets = [0, 0], sizes = [1, 8192], strides = [1, 1]} : vector<4x8192xi1> to vector<1x8192xi1>
    %and3A_594 = arith.andi %eq3A_592, %slice3A_593 : vector<1x8192xi1>
    %convert_element_type3A_595 = arith.extui %and3A_594 : vector<1x8192xi1> to vector<1x8192xi32>
    %convert_element_type3A_596 = arith.sitofp %convert_element_type3A_595 : vector<1x8192xi32> to vector<1x8192xf32>
    %slice3A_597 = vector.extract_strided_slice %div3A_6 {offsets = [0, 0], sizes = [1, 8192], strides = [1, 1]} : vector<4x8192xf32> to vector<1x8192xf32>
    %mul3A_598 = arith.mulf %slice3A_597, %convert_element_type3A_596 : vector<1x8192xf32>
    %slice3A_599 = vector.extract_strided_slice %floor3A {offsets = [0, 0], sizes = [1, 8192], strides = [1, 1]} : vector<4x8192xf32> to vector<1x8192xf32>
    %eq3A_600 = arith.constant 2.000000e+00 : f32
    %eq3A_601 = vector.broadcast %eq3A_600 : f32 to vector<1x8192xf32>
    %eq3A_602 = arith.cmpf oeq, %slice3A_599, %eq3A_601 : vector<1x8192xf32>
    %slice3A_603 = vector.extract_strided_slice %ge3A_398 {offsets = [0, 0], sizes = [1, 8192], strides = [1, 1]} : vector<4x8192xi1> to vector<1x8192xi1>
    %and3A_604 = arith.andi %eq3A_602, %slice3A_603 : vector<1x8192xi1>
    %convert_element_type3A_605 = arith.extui %and3A_604 : vector<1x8192xi1> to vector<1x8192xi32>
    %convert_element_type3A_606 = arith.sitofp %convert_element_type3A_605 : vector<1x8192xi32> to vector<1x8192xf32>
    %slice3A_607 = vector.extract_strided_slice %div3A_6 {offsets = [0, 0], sizes = [1, 8192], strides = [1, 1]} : vector<4x8192xf32> to vector<1x8192xf32>
    %mul3A_608 = arith.mulf %slice3A_607, %convert_element_type3A_606 : vector<1x8192xf32>
    %slice3A_609 = vector.extract_strided_slice %floor3A {offsets = [0, 0], sizes = [1, 8192], strides = [1, 1]} : vector<4x8192xf32> to vector<1x8192xf32>
    %eq3A_610 = arith.constant 3.000000e+00 : f32
    %eq3A_611 = vector.broadcast %eq3A_610 : f32 to vector<1x8192xf32>
    %eq3A_612 = arith.cmpf oeq, %slice3A_609, %eq3A_611 : vector<1x8192xf32>
    %slice3A_613 = vector.extract_strided_slice %ge3A_398 {offsets = [0, 0], sizes = [1, 8192], strides = [1, 1]} : vector<4x8192xi1> to vector<1x8192xi1>
    %and3A_614 = arith.andi %eq3A_612, %slice3A_613 : vector<1x8192xi1>
    %convert_element_type3A_615 = arith.extui %and3A_614 : vector<1x8192xi1> to vector<1x8192xi32>
    %convert_element_type3A_616 = arith.sitofp %convert_element_type3A_615 : vector<1x8192xi32> to vector<1x8192xf32>
    %slice3A_617 = vector.extract_strided_slice %div3A_6 {offsets = [0, 0], sizes = [1, 8192], strides = [1, 1]} : vector<4x8192xf32> to vector<1x8192xf32>
    %mul3A_618 = arith.mulf %slice3A_617, %convert_element_type3A_616 : vector<1x8192xf32>
    %slice3A_619 = vector.extract_strided_slice %floor3A {offsets = [0, 0], sizes = [1, 8192], strides = [1, 1]} : vector<4x8192xf32> to vector<1x8192xf32>
    %eq3A_620 = arith.constant 0.000000e+00 : f32
    %eq3A_621 = vector.broadcast %eq3A_620 : f32 to vector<1x8192xf32>
    %eq3A_622 = arith.cmpf oeq, %slice3A_619, %eq3A_621 : vector<1x8192xf32>
    %slice3A_623 = vector.extract_strided_slice %ge3A_398 {offsets = [0, 0], sizes = [1, 8192], strides = [1, 1]} : vector<4x8192xi1> to vector<1x8192xi1>
    %and3A_624 = arith.andi %eq3A_622, %slice3A_623 : vector<1x8192xi1>
    %convert_element_type3A_625 = arith.extui %and3A_624 : vector<1x8192xi1> to vector<1x8192xi32>
    %convert_element_type3A_626 = arith.sitofp %convert_element_type3A_625 : vector<1x8192xi32> to vector<1x8192xf32>
    %slice3A_627 = vector.extract_strided_slice %convert_element_type3A_411 {offsets = [0, 0], sizes = [1, 8192], strides = [1, 1]} : vector<4x8192xf32> to vector<1x8192xf32>
    %mul3A_628 = arith.mulf %slice3A_627, %convert_element_type3A_626 : vector<1x8192xf32>
    %slice3A_629 = vector.extract_strided_slice %floor3A {offsets = [0, 0], sizes = [1, 8192], strides = [1, 1]} : vector<4x8192xf32> to vector<1x8192xf32>
    %eq3A_630 = arith.constant 1.000000e+00 : f32
    %eq3A_631 = vector.broadcast %eq3A_630 : f32 to vector<1x8192xf32>
    %eq3A_632 = arith.cmpf oeq, %slice3A_629, %eq3A_631 : vector<1x8192xf32>
    %slice3A_633 = vector.extract_strided_slice %ge3A_398 {offsets = [0, 0], sizes = [1, 8192], strides = [1, 1]} : vector<4x8192xi1> to vector<1x8192xi1>
    %and3A_634 = arith.andi %eq3A_632, %slice3A_633 : vector<1x8192xi1>
    %convert_element_type3A_635 = arith.extui %and3A_634 : vector<1x8192xi1> to vector<1x8192xi32>
    %convert_element_type3A_636 = arith.sitofp %convert_element_type3A_635 : vector<1x8192xi32> to vector<1x8192xf32>
    %slice3A_637 = vector.extract_strided_slice %convert_element_type3A_411 {offsets = [0, 0], sizes = [1, 8192], strides = [1, 1]} : vector<4x8192xf32> to vector<1x8192xf32>
    %mul3A_638 = arith.mulf %slice3A_637, %convert_element_type3A_636 : vector<1x8192xf32>
    %slice3A_639 = vector.extract_strided_slice %floor3A {offsets = [0, 0], sizes = [1, 8192], strides = [1, 1]} : vector<4x8192xf32> to vector<1x8192xf32>
    %eq3A_640 = arith.constant 2.000000e+00 : f32
    %eq3A_641 = vector.broadcast %eq3A_640 : f32 to vector<1x8192xf32>
    %eq3A_642 = arith.cmpf oeq, %slice3A_639, %eq3A_641 : vector<1x8192xf32>
    %slice3A_643 = vector.extract_strided_slice %ge3A_398 {offsets = [0, 0], sizes = [1, 8192], strides = [1, 1]} : vector<4x8192xi1> to vector<1x8192xi1>
    %and3A_644 = arith.andi %eq3A_642, %slice3A_643 : vector<1x8192xi1>
    %convert_element_type3A_645 = arith.extui %and3A_644 : vector<1x8192xi1> to vector<1x8192xi32>
    %convert_element_type3A_646 = arith.sitofp %convert_element_type3A_645 : vector<1x8192xi32> to vector<1x8192xf32>
    %slice3A_647 = vector.extract_strided_slice %convert_element_type3A_411 {offsets = [0, 0], sizes = [1, 8192], strides = [1, 1]} : vector<4x8192xf32> to vector<1x8192xf32>
    %mul3A_648 = arith.mulf %slice3A_647, %convert_element_type3A_646 : vector<1x8192xf32>
    %slice3A_649 = vector.extract_strided_slice %floor3A {offsets = [0, 0], sizes = [1, 8192], strides = [1, 1]} : vector<4x8192xf32> to vector<1x8192xf32>
    %eq3A_650 = arith.constant 3.000000e+00 : f32
    %eq3A_651 = vector.broadcast %eq3A_650 : f32 to vector<1x8192xf32>
    %eq3A_652 = arith.cmpf oeq, %slice3A_649, %eq3A_651 : vector<1x8192xf32>
    %slice3A_653 = vector.extract_strided_slice %ge3A_398 {offsets = [0, 0], sizes = [1, 8192], strides = [1, 1]} : vector<4x8192xi1> to vector<1x8192xi1>
    %and3A_654 = arith.andi %eq3A_652, %slice3A_653 : vector<1x8192xi1>
    %convert_element_type3A_655 = arith.extui %and3A_654 : vector<1x8192xi1> to vector<1x8192xi32>
    %convert_element_type3A_656 = arith.sitofp %convert_element_type3A_655 : vector<1x8192xi32> to vector<1x8192xf32>
    %slice3A_657 = vector.extract_strided_slice %convert_element_type3A_411 {offsets = [0, 0], sizes = [1, 8192], strides = [1, 1]} : vector<4x8192xf32> to vector<1x8192xf32>
    %mul3A_658 = arith.mulf %slice3A_657, %convert_element_type3A_656 : vector<1x8192xf32>
    %concatenate3A_659 = tpu.concatenate %mul3A_588, %mul3A_598, %mul3A_608, %mul3A_618, %mul3A_628, %mul3A_638, %mul3A_648, %mul3A_658 in 0 : vector<1x8192xf32>, vector<1x8192xf32>, vector<1x8192xf32>, vector<1x8192xf32>, vector<1x8192xf32>, vector<1x8192xf32>, vector<1x8192xf32>, vector<1x8192xf32> -> vector<8x8192xf32>
    %dot_general3A_660 = arith.constant dense<0.000000e+00> : vector<8x128xf32>
    %dot_general3A_661 = tpu.matmul %concatenate3A_659, %convert_element_type3A_579, %dot_general3A_660 {dimension_numbers = #tpu.dot_dimension_numbers<[1], [0], [0], [1], [0, 0, 1, 1], [], []>, precision = #tpu.contract_precision<fp32>, transpose_lhs_hint = false} : vector<8x8192xf32>, vector<8192x128xf32>, vector<8x128xf32> -> vector<8x128xf32>
    %slice3A_662 = vector.extract_strided_slice %dot_general3A_661 {offsets = [0, 0], sizes = [1, 128], strides = [1, 1]} : vector<8x128xf32> to vector<1x128xf32>
    %slice3A_663 = vector.extract_strided_slice %dot_general3A_661 {offsets = [1, 0], sizes = [1, 128], strides = [1, 1]} : vector<8x128xf32> to vector<1x128xf32>
    %slice3A_664 = vector.extract_strided_slice %dot_general3A_661 {offsets = [2, 0], sizes = [1, 128], strides = [1, 1]} : vector<8x128xf32> to vector<1x128xf32>
    %slice3A_665 = vector.extract_strided_slice %dot_general3A_661 {offsets = [3, 0], sizes = [1, 128], strides = [1, 1]} : vector<8x128xf32> to vector<1x128xf32>
    %concatenate3A_666 = tpu.concatenate %slice3A_662, %slice3A_663, %slice3A_664, %slice3A_665 in 1 : vector<1x128xf32>, vector<1x128xf32>, vector<1x128xf32>, vector<1x128xf32> -> vector<1x512xf32>
    %slice3A_667 = vector.extract_strided_slice %dot_general3A_661 {offsets = [4, 0], sizes = [1, 128], strides = [1, 1]} : vector<8x128xf32> to vector<1x128xf32>
    %slice3A_668 = vector.extract_strided_slice %dot_general3A_661 {offsets = [5, 0], sizes = [1, 128], strides = [1, 1]} : vector<8x128xf32> to vector<1x128xf32>
    %slice3A_669 = vector.extract_strided_slice %dot_general3A_661 {offsets = [6, 0], sizes = [1, 128], strides = [1, 1]} : vector<8x128xf32> to vector<1x128xf32>
    %slice3A_670 = vector.extract_strided_slice %dot_general3A_661 {offsets = [7, 0], sizes = [1, 128], strides = [1, 1]} : vector<8x128xf32> to vector<1x128xf32>
    %concatenate3A_671 = tpu.concatenate %slice3A_667, %slice3A_668, %slice3A_669, %slice3A_670 in 1 : vector<1x128xf32>, vector<1x128xf32>, vector<1x128xf32>, vector<1x128xf32> -> vector<1x512xf32>
    %slice3A_672 = vector.extract_strided_slice %sub3A_566 {offsets = [0, 1], sizes = [8192, 1], strides = [1, 1]} : vector<8192x4xf32> to vector<8192x1xf32>
    %slice3A_673 = vector.extract_strided_slice %dot_general3A_414 {offsets = [0, 1], sizes = [8192, 1], strides = [1, 1]} : vector<8192x4xf32> to vector<8192x1xf32>
    %sub3A_674 = arith.constant 1.000000e+00 : f32
    %sub3A_675 = vector.broadcast %sub3A_674 : f32 to vector<8192x1xf32>
    %sub3A_676 = arith.subf %sub3A_675, %slice3A_673 : vector<8192x1xf32>
    %mul3A_677 = arith.constant 1.024000e+03 : f32
    %mul3A_678 = vector.broadcast %mul3A_677 : f32 to vector<8192x1xf32>
    %mul3A_679 = arith.mulf %sub3A_676, %mul3A_678 : vector<8192x1xf32>
    %add3A_680 = arith.addf %slice3A_672, %mul3A_679 : vector<8192x1xf32>
    %eq3A_681 = vector.broadcast %add3A_680 : vector<8192x1xf32> to vector<8192x128xf32>
    %eq3A_682 = arith.cmpf oeq, %eq3A_681, %convert_element_type3A_413 : vector<8192x128xf32>
    %convert_element_type3A_683 = arith.extui %eq3A_682 : vector<8192x128xi1> to vector<8192x128xi32>
    %convert_element_type3A_684 = arith.sitofp %convert_element_type3A_683 : vector<8192x128xi32> to vector<8192x128xf32>
    %slice3A_685 = vector.extract_strided_slice %floor3A {offsets = [1, 0], sizes = [1, 8192], strides = [1, 1]} : vector<4x8192xf32> to vector<1x8192xf32>
    %eq3A_686 = arith.constant 0.000000e+00 : f32
    %eq3A_687 = vector.broadcast %eq3A_686 : f32 to vector<1x8192xf32>
    %eq3A_688 = arith.cmpf oeq, %slice3A_685, %eq3A_687 : vector<1x8192xf32>
    %slice3A_689 = vector.extract_strided_slice %ge3A_398 {offsets = [1, 0], sizes = [1, 8192], strides = [1, 1]} : vector<4x8192xi1> to vector<1x8192xi1>
    %and3A_690 = arith.andi %eq3A_688, %slice3A_689 : vector<1x8192xi1>
    %convert_element_type3A_691 = arith.extui %and3A_690 : vector<1x8192xi1> to vector<1x8192xi32>
    %convert_element_type3A_692 = arith.sitofp %convert_element_type3A_691 : vector<1x8192xi32> to vector<1x8192xf32>
    %slice3A_693 = vector.extract_strided_slice %div3A_6 {offsets = [1, 0], sizes = [1, 8192], strides = [1, 1]} : vector<4x8192xf32> to vector<1x8192xf32>
    %mul3A_694 = arith.mulf %slice3A_693, %convert_element_type3A_692 : vector<1x8192xf32>
    %slice3A_695 = vector.extract_strided_slice %floor3A {offsets = [1, 0], sizes = [1, 8192], strides = [1, 1]} : vector<4x8192xf32> to vector<1x8192xf32>
    %eq3A_696 = arith.constant 1.000000e+00 : f32
    %eq3A_697 = vector.broadcast %eq3A_696 : f32 to vector<1x8192xf32>
    %eq3A_698 = arith.cmpf oeq, %slice3A_695, %eq3A_697 : vector<1x8192xf32>
    %slice3A_699 = vector.extract_strided_slice %ge3A_398 {offsets = [1, 0], sizes = [1, 8192], strides = [1, 1]} : vector<4x8192xi1> to vector<1x8192xi1>
    %and3A_700 = arith.andi %eq3A_698, %slice3A_699 : vector<1x8192xi1>
    %convert_element_type3A_701 = arith.extui %and3A_700 : vector<1x8192xi1> to vector<1x8192xi32>
    %convert_element_type3A_702 = arith.sitofp %convert_element_type3A_701 : vector<1x8192xi32> to vector<1x8192xf32>
    %slice3A_703 = vector.extract_strided_slice %div3A_6 {offsets = [1, 0], sizes = [1, 8192], strides = [1, 1]} : vector<4x8192xf32> to vector<1x8192xf32>
    %mul3A_704 = arith.mulf %slice3A_703, %convert_element_type3A_702 : vector<1x8192xf32>
    %slice3A_705 = vector.extract_strided_slice %floor3A {offsets = [1, 0], sizes = [1, 8192], strides = [1, 1]} : vector<4x8192xf32> to vector<1x8192xf32>
    %eq3A_706 = arith.constant 2.000000e+00 : f32
    %eq3A_707 = vector.broadcast %eq3A_706 : f32 to vector<1x8192xf32>
    %eq3A_708 = arith.cmpf oeq, %slice3A_705, %eq3A_707 : vector<1x8192xf32>
    %slice3A_709 = vector.extract_strided_slice %ge3A_398 {offsets = [1, 0], sizes = [1, 8192], strides = [1, 1]} : vector<4x8192xi1> to vector<1x8192xi1>
    %and3A_710 = arith.andi %eq3A_708, %slice3A_709 : vector<1x8192xi1>
    %convert_element_type3A_711 = arith.extui %and3A_710 : vector<1x8192xi1> to vector<1x8192xi32>
    %convert_element_type3A_712 = arith.sitofp %convert_element_type3A_711 : vector<1x8192xi32> to vector<1x8192xf32>
    %slice3A_713 = vector.extract_strided_slice %div3A_6 {offsets = [1, 0], sizes = [1, 8192], strides = [1, 1]} : vector<4x8192xf32> to vector<1x8192xf32>
    %mul3A_714 = arith.mulf %slice3A_713, %convert_element_type3A_712 : vector<1x8192xf32>
    %slice3A_715 = vector.extract_strided_slice %floor3A {offsets = [1, 0], sizes = [1, 8192], strides = [1, 1]} : vector<4x8192xf32> to vector<1x8192xf32>
    %eq3A_716 = arith.constant 3.000000e+00 : f32
    %eq3A_717 = vector.broadcast %eq3A_716 : f32 to vector<1x8192xf32>
    %eq3A_718 = arith.cmpf oeq, %slice3A_715, %eq3A_717 : vector<1x8192xf32>
    %slice3A_719 = vector.extract_strided_slice %ge3A_398 {offsets = [1, 0], sizes = [1, 8192], strides = [1, 1]} : vector<4x8192xi1> to vector<1x8192xi1>
    %and3A_720 = arith.andi %eq3A_718, %slice3A_719 : vector<1x8192xi1>
    %convert_element_type3A_721 = arith.extui %and3A_720 : vector<1x8192xi1> to vector<1x8192xi32>
    %convert_element_type3A_722 = arith.sitofp %convert_element_type3A_721 : vector<1x8192xi32> to vector<1x8192xf32>
    %slice3A_723 = vector.extract_strided_slice %div3A_6 {offsets = [1, 0], sizes = [1, 8192], strides = [1, 1]} : vector<4x8192xf32> to vector<1x8192xf32>
    %mul3A_724 = arith.mulf %slice3A_723, %convert_element_type3A_722 : vector<1x8192xf32>
    %slice3A_725 = vector.extract_strided_slice %floor3A {offsets = [1, 0], sizes = [1, 8192], strides = [1, 1]} : vector<4x8192xf32> to vector<1x8192xf32>
    %eq3A_726 = arith.constant 0.000000e+00 : f32
    %eq3A_727 = vector.broadcast %eq3A_726 : f32 to vector<1x8192xf32>
    %eq3A_728 = arith.cmpf oeq, %slice3A_725, %eq3A_727 : vector<1x8192xf32>
    %slice3A_729 = vector.extract_strided_slice %ge3A_398 {offsets = [1, 0], sizes = [1, 8192], strides = [1, 1]} : vector<4x8192xi1> to vector<1x8192xi1>
    %and3A_730 = arith.andi %eq3A_728, %slice3A_729 : vector<1x8192xi1>
    %convert_element_type3A_731 = arith.extui %and3A_730 : vector<1x8192xi1> to vector<1x8192xi32>
    %convert_element_type3A_732 = arith.sitofp %convert_element_type3A_731 : vector<1x8192xi32> to vector<1x8192xf32>
    %slice3A_733 = vector.extract_strided_slice %convert_element_type3A_411 {offsets = [1, 0], sizes = [1, 8192], strides = [1, 1]} : vector<4x8192xf32> to vector<1x8192xf32>
    %mul3A_734 = arith.mulf %slice3A_733, %convert_element_type3A_732 : vector<1x8192xf32>
    %slice3A_735 = vector.extract_strided_slice %floor3A {offsets = [1, 0], sizes = [1, 8192], strides = [1, 1]} : vector<4x8192xf32> to vector<1x8192xf32>
    %eq3A_736 = arith.constant 1.000000e+00 : f32
    %eq3A_737 = vector.broadcast %eq3A_736 : f32 to vector<1x8192xf32>
    %eq3A_738 = arith.cmpf oeq, %slice3A_735, %eq3A_737 : vector<1x8192xf32>
    %slice3A_739 = vector.extract_strided_slice %ge3A_398 {offsets = [1, 0], sizes = [1, 8192], strides = [1, 1]} : vector<4x8192xi1> to vector<1x8192xi1>
    %and3A_740 = arith.andi %eq3A_738, %slice3A_739 : vector<1x8192xi1>
    %convert_element_type3A_741 = arith.extui %and3A_740 : vector<1x8192xi1> to vector<1x8192xi32>
    %convert_element_type3A_742 = arith.sitofp %convert_element_type3A_741 : vector<1x8192xi32> to vector<1x8192xf32>
    %slice3A_743 = vector.extract_strided_slice %convert_element_type3A_411 {offsets = [1, 0], sizes = [1, 8192], strides = [1, 1]} : vector<4x8192xf32> to vector<1x8192xf32>
    %mul3A_744 = arith.mulf %slice3A_743, %convert_element_type3A_742 : vector<1x8192xf32>
    %slice3A_745 = vector.extract_strided_slice %floor3A {offsets = [1, 0], sizes = [1, 8192], strides = [1, 1]} : vector<4x8192xf32> to vector<1x8192xf32>
    %eq3A_746 = arith.constant 2.000000e+00 : f32
    %eq3A_747 = vector.broadcast %eq3A_746 : f32 to vector<1x8192xf32>
    %eq3A_748 = arith.cmpf oeq, %slice3A_745, %eq3A_747 : vector<1x8192xf32>
    %slice3A_749 = vector.extract_strided_slice %ge3A_398 {offsets = [1, 0], sizes = [1, 8192], strides = [1, 1]} : vector<4x8192xi1> to vector<1x8192xi1>
    %and3A_750 = arith.andi %eq3A_748, %slice3A_749 : vector<1x8192xi1>
    %convert_element_type3A_751 = arith.extui %and3A_750 : vector<1x8192xi1> to vector<1x8192xi32>
    %convert_element_type3A_752 = arith.sitofp %convert_element_type3A_751 : vector<1x8192xi32> to vector<1x8192xf32>
    %slice3A_753 = vector.extract_strided_slice %convert_element_type3A_411 {offsets = [1, 0], sizes = [1, 8192], strides = [1, 1]} : vector<4x8192xf32> to vector<1x8192xf32>
    %mul3A_754 = arith.mulf %slice3A_753, %convert_element_type3A_752 : vector<1x8192xf32>
    %slice3A_755 = vector.extract_strided_slice %floor3A {offsets = [1, 0], sizes = [1, 8192], strides = [1, 1]} : vector<4x8192xf32> to vector<1x8192xf32>
    %eq3A_756 = arith.constant 3.000000e+00 : f32
    %eq3A_757 = vector.broadcast %eq3A_756 : f32 to vector<1x8192xf32>
    %eq3A_758 = arith.cmpf oeq, %slice3A_755, %eq3A_757 : vector<1x8192xf32>
    %slice3A_759 = vector.extract_strided_slice %ge3A_398 {offsets = [1, 0], sizes = [1, 8192], strides = [1, 1]} : vector<4x8192xi1> to vector<1x8192xi1>
    %and3A_760 = arith.andi %eq3A_758, %slice3A_759 : vector<1x8192xi1>
    %convert_element_type3A_761 = arith.extui %and3A_760 : vector<1x8192xi1> to vector<1x8192xi32>
    %convert_element_type3A_762 = arith.sitofp %convert_element_type3A_761 : vector<1x8192xi32> to vector<1x8192xf32>
    %slice3A_763 = vector.extract_strided_slice %convert_element_type3A_411 {offsets = [1, 0], sizes = [1, 8192], strides = [1, 1]} : vector<4x8192xf32> to vector<1x8192xf32>
    %mul3A_764 = arith.mulf %slice3A_763, %convert_element_type3A_762 : vector<1x8192xf32>
    %concatenate3A_765 = tpu.concatenate %mul3A_694, %mul3A_704, %mul3A_714, %mul3A_724, %mul3A_734, %mul3A_744, %mul3A_754, %mul3A_764 in 0 : vector<1x8192xf32>, vector<1x8192xf32>, vector<1x8192xf32>, vector<1x8192xf32>, vector<1x8192xf32>, vector<1x8192xf32>, vector<1x8192xf32>, vector<1x8192xf32> -> vector<8x8192xf32>
    %dot_general3A_766 = arith.constant dense<0.000000e+00> : vector<8x128xf32>
    %dot_general3A_767 = tpu.matmul %concatenate3A_765, %convert_element_type3A_684, %dot_general3A_766 {dimension_numbers = #tpu.dot_dimension_numbers<[1], [0], [0], [1], [0, 0, 1, 1], [], []>, precision = #tpu.contract_precision<fp32>, transpose_lhs_hint = false} : vector<8x8192xf32>, vector<8192x128xf32>, vector<8x128xf32> -> vector<8x128xf32>
    %slice3A_768 = vector.extract_strided_slice %dot_general3A_767 {offsets = [0, 0], sizes = [1, 128], strides = [1, 1]} : vector<8x128xf32> to vector<1x128xf32>
    %slice3A_769 = vector.extract_strided_slice %dot_general3A_767 {offsets = [1, 0], sizes = [1, 128], strides = [1, 1]} : vector<8x128xf32> to vector<1x128xf32>
    %slice3A_770 = vector.extract_strided_slice %dot_general3A_767 {offsets = [2, 0], sizes = [1, 128], strides = [1, 1]} : vector<8x128xf32> to vector<1x128xf32>
    %slice3A_771 = vector.extract_strided_slice %dot_general3A_767 {offsets = [3, 0], sizes = [1, 128], strides = [1, 1]} : vector<8x128xf32> to vector<1x128xf32>
    %concatenate3A_772 = tpu.concatenate %slice3A_768, %slice3A_769, %slice3A_770, %slice3A_771 in 1 : vector<1x128xf32>, vector<1x128xf32>, vector<1x128xf32>, vector<1x128xf32> -> vector<1x512xf32>
    %slice3A_773 = vector.extract_strided_slice %dot_general3A_767 {offsets = [4, 0], sizes = [1, 128], strides = [1, 1]} : vector<8x128xf32> to vector<1x128xf32>
    %slice3A_774 = vector.extract_strided_slice %dot_general3A_767 {offsets = [5, 0], sizes = [1, 128], strides = [1, 1]} : vector<8x128xf32> to vector<1x128xf32>
    %slice3A_775 = vector.extract_strided_slice %dot_general3A_767 {offsets = [6, 0], sizes = [1, 128], strides = [1, 1]} : vector<8x128xf32> to vector<1x128xf32>
    %slice3A_776 = vector.extract_strided_slice %dot_general3A_767 {offsets = [7, 0], sizes = [1, 128], strides = [1, 1]} : vector<8x128xf32> to vector<1x128xf32>
    %concatenate3A_777 = tpu.concatenate %slice3A_773, %slice3A_774, %slice3A_775, %slice3A_776 in 1 : vector<1x128xf32>, vector<1x128xf32>, vector<1x128xf32>, vector<1x128xf32> -> vector<1x512xf32>
    %slice3A_778 = vector.extract_strided_slice %sub3A_566 {offsets = [0, 2], sizes = [8192, 1], strides = [1, 1]} : vector<8192x4xf32> to vector<8192x1xf32>
    %slice3A_779 = vector.extract_strided_slice %dot_general3A_414 {offsets = [0, 2], sizes = [8192, 1], strides = [1, 1]} : vector<8192x4xf32> to vector<8192x1xf32>
    %sub3A_780 = arith.constant 1.000000e+00 : f32
    %sub3A_781 = vector.broadcast %sub3A_780 : f32 to vector<8192x1xf32>
    %sub3A_782 = arith.subf %sub3A_781, %slice3A_779 : vector<8192x1xf32>
    %mul3A_783 = arith.constant 1.024000e+03 : f32
    %mul3A_784 = vector.broadcast %mul3A_783 : f32 to vector<8192x1xf32>
    %mul3A_785 = arith.mulf %sub3A_782, %mul3A_784 : vector<8192x1xf32>
    %add3A_786 = arith.addf %slice3A_778, %mul3A_785 : vector<8192x1xf32>
    %eq3A_787 = vector.broadcast %add3A_786 : vector<8192x1xf32> to vector<8192x128xf32>
    %eq3A_788 = arith.cmpf oeq, %eq3A_787, %convert_element_type3A_413 : vector<8192x128xf32>
    %convert_element_type3A_789 = arith.extui %eq3A_788 : vector<8192x128xi1> to vector<8192x128xi32>
    %convert_element_type3A_790 = arith.sitofp %convert_element_type3A_789 : vector<8192x128xi32> to vector<8192x128xf32>
    %slice3A_791 = vector.extract_strided_slice %floor3A {offsets = [2, 0], sizes = [1, 8192], strides = [1, 1]} : vector<4x8192xf32> to vector<1x8192xf32>
    %eq3A_792 = arith.constant 0.000000e+00 : f32
    %eq3A_793 = vector.broadcast %eq3A_792 : f32 to vector<1x8192xf32>
    %eq3A_794 = arith.cmpf oeq, %slice3A_791, %eq3A_793 : vector<1x8192xf32>
    %slice3A_795 = vector.extract_strided_slice %ge3A_398 {offsets = [2, 0], sizes = [1, 8192], strides = [1, 1]} : vector<4x8192xi1> to vector<1x8192xi1>
    %and3A_796 = arith.andi %eq3A_794, %slice3A_795 : vector<1x8192xi1>
    %convert_element_type3A_797 = arith.extui %and3A_796 : vector<1x8192xi1> to vector<1x8192xi32>
    %convert_element_type3A_798 = arith.sitofp %convert_element_type3A_797 : vector<1x8192xi32> to vector<1x8192xf32>
    %slice3A_799 = vector.extract_strided_slice %div3A_6 {offsets = [2, 0], sizes = [1, 8192], strides = [1, 1]} : vector<4x8192xf32> to vector<1x8192xf32>
    %mul3A_800 = arith.mulf %slice3A_799, %convert_element_type3A_798 : vector<1x8192xf32>
    %slice3A_801 = vector.extract_strided_slice %floor3A {offsets = [2, 0], sizes = [1, 8192], strides = [1, 1]} : vector<4x8192xf32> to vector<1x8192xf32>
    %eq3A_802 = arith.constant 1.000000e+00 : f32
    %eq3A_803 = vector.broadcast %eq3A_802 : f32 to vector<1x8192xf32>
    %eq3A_804 = arith.cmpf oeq, %slice3A_801, %eq3A_803 : vector<1x8192xf32>
    %slice3A_805 = vector.extract_strided_slice %ge3A_398 {offsets = [2, 0], sizes = [1, 8192], strides = [1, 1]} : vector<4x8192xi1> to vector<1x8192xi1>
    %and3A_806 = arith.andi %eq3A_804, %slice3A_805 : vector<1x8192xi1>
    %convert_element_type3A_807 = arith.extui %and3A_806 : vector<1x8192xi1> to vector<1x8192xi32>
    %convert_element_type3A_808 = arith.sitofp %convert_element_type3A_807 : vector<1x8192xi32> to vector<1x8192xf32>
    %slice3A_809 = vector.extract_strided_slice %div3A_6 {offsets = [2, 0], sizes = [1, 8192], strides = [1, 1]} : vector<4x8192xf32> to vector<1x8192xf32>
    %mul3A_810 = arith.mulf %slice3A_809, %convert_element_type3A_808 : vector<1x8192xf32>
    %slice3A_811 = vector.extract_strided_slice %floor3A {offsets = [2, 0], sizes = [1, 8192], strides = [1, 1]} : vector<4x8192xf32> to vector<1x8192xf32>
    %eq3A_812 = arith.constant 2.000000e+00 : f32
    %eq3A_813 = vector.broadcast %eq3A_812 : f32 to vector<1x8192xf32>
    %eq3A_814 = arith.cmpf oeq, %slice3A_811, %eq3A_813 : vector<1x8192xf32>
    %slice3A_815 = vector.extract_strided_slice %ge3A_398 {offsets = [2, 0], sizes = [1, 8192], strides = [1, 1]} : vector<4x8192xi1> to vector<1x8192xi1>
    %and3A_816 = arith.andi %eq3A_814, %slice3A_815 : vector<1x8192xi1>
    %convert_element_type3A_817 = arith.extui %and3A_816 : vector<1x8192xi1> to vector<1x8192xi32>
    %convert_element_type3A_818 = arith.sitofp %convert_element_type3A_817 : vector<1x8192xi32> to vector<1x8192xf32>
    %slice3A_819 = vector.extract_strided_slice %div3A_6 {offsets = [2, 0], sizes = [1, 8192], strides = [1, 1]} : vector<4x8192xf32> to vector<1x8192xf32>
    %mul3A_820 = arith.mulf %slice3A_819, %convert_element_type3A_818 : vector<1x8192xf32>
    %slice3A_821 = vector.extract_strided_slice %floor3A {offsets = [2, 0], sizes = [1, 8192], strides = [1, 1]} : vector<4x8192xf32> to vector<1x8192xf32>
    %eq3A_822 = arith.constant 3.000000e+00 : f32
    %eq3A_823 = vector.broadcast %eq3A_822 : f32 to vector<1x8192xf32>
    %eq3A_824 = arith.cmpf oeq, %slice3A_821, %eq3A_823 : vector<1x8192xf32>
    %slice3A_825 = vector.extract_strided_slice %ge3A_398 {offsets = [2, 0], sizes = [1, 8192], strides = [1, 1]} : vector<4x8192xi1> to vector<1x8192xi1>
    %and3A_826 = arith.andi %eq3A_824, %slice3A_825 : vector<1x8192xi1>
    %convert_element_type3A_827 = arith.extui %and3A_826 : vector<1x8192xi1> to vector<1x8192xi32>
    %convert_element_type3A_828 = arith.sitofp %convert_element_type3A_827 : vector<1x8192xi32> to vector<1x8192xf32>
    %slice3A_829 = vector.extract_strided_slice %div3A_6 {offsets = [2, 0], sizes = [1, 8192], strides = [1, 1]} : vector<4x8192xf32> to vector<1x8192xf32>
    %mul3A_830 = arith.mulf %slice3A_829, %convert_element_type3A_828 : vector<1x8192xf32>
    %slice3A_831 = vector.extract_strided_slice %floor3A {offsets = [2, 0], sizes = [1, 8192], strides = [1, 1]} : vector<4x8192xf32> to vector<1x8192xf32>
    %eq3A_832 = arith.constant 0.000000e+00 : f32
    %eq3A_833 = vector.broadcast %eq3A_832 : f32 to vector<1x8192xf32>
    %eq3A_834 = arith.cmpf oeq, %slice3A_831, %eq3A_833 : vector<1x8192xf32>
    %slice3A_835 = vector.extract_strided_slice %ge3A_398 {offsets = [2, 0], sizes = [1, 8192], strides = [1, 1]} : vector<4x8192xi1> to vector<1x8192xi1>
    %and3A_836 = arith.andi %eq3A_834, %slice3A_835 : vector<1x8192xi1>
    %convert_element_type3A_837 = arith.extui %and3A_836 : vector<1x8192xi1> to vector<1x8192xi32>
    %convert_element_type3A_838 = arith.sitofp %convert_element_type3A_837 : vector<1x8192xi32> to vector<1x8192xf32>
    %slice3A_839 = vector.extract_strided_slice %convert_element_type3A_411 {offsets = [2, 0], sizes = [1, 8192], strides = [1, 1]} : vector<4x8192xf32> to vector<1x8192xf32>
    %mul3A_840 = arith.mulf %slice3A_839, %convert_element_type3A_838 : vector<1x8192xf32>
    %slice3A_841 = vector.extract_strided_slice %floor3A {offsets = [2, 0], sizes = [1, 8192], strides = [1, 1]} : vector<4x8192xf32> to vector<1x8192xf32>
    %eq3A_842 = arith.constant 1.000000e+00 : f32
    %eq3A_843 = vector.broadcast %eq3A_842 : f32 to vector<1x8192xf32>
    %eq3A_844 = arith.cmpf oeq, %slice3A_841, %eq3A_843 : vector<1x8192xf32>
    %slice3A_845 = vector.extract_strided_slice %ge3A_398 {offsets = [2, 0], sizes = [1, 8192], strides = [1, 1]} : vector<4x8192xi1> to vector<1x8192xi1>
    %and3A_846 = arith.andi %eq3A_844, %slice3A_845 : vector<1x8192xi1>
    %convert_element_type3A_847 = arith.extui %and3A_846 : vector<1x8192xi1> to vector<1x8192xi32>
    %convert_element_type3A_848 = arith.sitofp %convert_element_type3A_847 : vector<1x8192xi32> to vector<1x8192xf32>
    %slice3A_849 = vector.extract_strided_slice %convert_element_type3A_411 {offsets = [2, 0], sizes = [1, 8192], strides = [1, 1]} : vector<4x8192xf32> to vector<1x8192xf32>
    %mul3A_850 = arith.mulf %slice3A_849, %convert_element_type3A_848 : vector<1x8192xf32>
    %slice3A_851 = vector.extract_strided_slice %floor3A {offsets = [2, 0], sizes = [1, 8192], strides = [1, 1]} : vector<4x8192xf32> to vector<1x8192xf32>
    %eq3A_852 = arith.constant 2.000000e+00 : f32
    %eq3A_853 = vector.broadcast %eq3A_852 : f32 to vector<1x8192xf32>
    %eq3A_854 = arith.cmpf oeq, %slice3A_851, %eq3A_853 : vector<1x8192xf32>
    %slice3A_855 = vector.extract_strided_slice %ge3A_398 {offsets = [2, 0], sizes = [1, 8192], strides = [1, 1]} : vector<4x8192xi1> to vector<1x8192xi1>
    %and3A_856 = arith.andi %eq3A_854, %slice3A_855 : vector<1x8192xi1>
    %convert_element_type3A_857 = arith.extui %and3A_856 : vector<1x8192xi1> to vector<1x8192xi32>
    %convert_element_type3A_858 = arith.sitofp %convert_element_type3A_857 : vector<1x8192xi32> to vector<1x8192xf32>
    %slice3A_859 = vector.extract_strided_slice %convert_element_type3A_411 {offsets = [2, 0], sizes = [1, 8192], strides = [1, 1]} : vector<4x8192xf32> to vector<1x8192xf32>
    %mul3A_860 = arith.mulf %slice3A_859, %convert_element_type3A_858 : vector<1x8192xf32>
    %slice3A_861 = vector.extract_strided_slice %floor3A {offsets = [2, 0], sizes = [1, 8192], strides = [1, 1]} : vector<4x8192xf32> to vector<1x8192xf32>
    %eq3A_862 = arith.constant 3.000000e+00 : f32
    %eq3A_863 = vector.broadcast %eq3A_862 : f32 to vector<1x8192xf32>
    %eq3A_864 = arith.cmpf oeq, %slice3A_861, %eq3A_863 : vector<1x8192xf32>
    %slice3A_865 = vector.extract_strided_slice %ge3A_398 {offsets = [2, 0], sizes = [1, 8192], strides = [1, 1]} : vector<4x8192xi1> to vector<1x8192xi1>
    %and3A_866 = arith.andi %eq3A_864, %slice3A_865 : vector<1x8192xi1>
    %convert_element_type3A_867 = arith.extui %and3A_866 : vector<1x8192xi1> to vector<1x8192xi32>
    %convert_element_type3A_868 = arith.sitofp %convert_element_type3A_867 : vector<1x8192xi32> to vector<1x8192xf32>
    %slice3A_869 = vector.extract_strided_slice %convert_element_type3A_411 {offsets = [2, 0], sizes = [1, 8192], strides = [1, 1]} : vector<4x8192xf32> to vector<1x8192xf32>
    %mul3A_870 = arith.mulf %slice3A_869, %convert_element_type3A_868 : vector<1x8192xf32>
    %concatenate3A_871 = tpu.concatenate %mul3A_800, %mul3A_810, %mul3A_820, %mul3A_830, %mul3A_840, %mul3A_850, %mul3A_860, %mul3A_870 in 0 : vector<1x8192xf32>, vector<1x8192xf32>, vector<1x8192xf32>, vector<1x8192xf32>, vector<1x8192xf32>, vector<1x8192xf32>, vector<1x8192xf32>, vector<1x8192xf32> -> vector<8x8192xf32>
    %dot_general3A_872 = arith.constant dense<0.000000e+00> : vector<8x128xf32>
    %dot_general3A_873 = tpu.matmul %concatenate3A_871, %convert_element_type3A_790, %dot_general3A_872 {dimension_numbers = #tpu.dot_dimension_numbers<[1], [0], [0], [1], [0, 0, 1, 1], [], []>, precision = #tpu.contract_precision<fp32>, transpose_lhs_hint = false} : vector<8x8192xf32>, vector<8192x128xf32>, vector<8x128xf32> -> vector<8x128xf32>
    %slice3A_874 = vector.extract_strided_slice %dot_general3A_873 {offsets = [0, 0], sizes = [1, 128], strides = [1, 1]} : vector<8x128xf32> to vector<1x128xf32>
    %slice3A_875 = vector.extract_strided_slice %dot_general3A_873 {offsets = [1, 0], sizes = [1, 128], strides = [1, 1]} : vector<8x128xf32> to vector<1x128xf32>
    %slice3A_876 = vector.extract_strided_slice %dot_general3A_873 {offsets = [2, 0], sizes = [1, 128], strides = [1, 1]} : vector<8x128xf32> to vector<1x128xf32>
    %slice3A_877 = vector.extract_strided_slice %dot_general3A_873 {offsets = [3, 0], sizes = [1, 128], strides = [1, 1]} : vector<8x128xf32> to vector<1x128xf32>
    %concatenate3A_878 = tpu.concatenate %slice3A_874, %slice3A_875, %slice3A_876, %slice3A_877 in 1 : vector<1x128xf32>, vector<1x128xf32>, vector<1x128xf32>, vector<1x128xf32> -> vector<1x512xf32>
    %slice3A_879 = vector.extract_strided_slice %dot_general3A_873 {offsets = [4, 0], sizes = [1, 128], strides = [1, 1]} : vector<8x128xf32> to vector<1x128xf32>
    %slice3A_880 = vector.extract_strided_slice %dot_general3A_873 {offsets = [5, 0], sizes = [1, 128], strides = [1, 1]} : vector<8x128xf32> to vector<1x128xf32>
    %slice3A_881 = vector.extract_strided_slice %dot_general3A_873 {offsets = [6, 0], sizes = [1, 128], strides = [1, 1]} : vector<8x128xf32> to vector<1x128xf32>
    %slice3A_882 = vector.extract_strided_slice %dot_general3A_873 {offsets = [7, 0], sizes = [1, 128], strides = [1, 1]} : vector<8x128xf32> to vector<1x128xf32>
    %concatenate3A_883 = tpu.concatenate %slice3A_879, %slice3A_880, %slice3A_881, %slice3A_882 in 1 : vector<1x128xf32>, vector<1x128xf32>, vector<1x128xf32>, vector<1x128xf32> -> vector<1x512xf32>
    %slice3A_884 = vector.extract_strided_slice %sub3A_566 {offsets = [0, 3], sizes = [8192, 1], strides = [1, 1]} : vector<8192x4xf32> to vector<8192x1xf32>
    %slice3A_885 = vector.extract_strided_slice %dot_general3A_414 {offsets = [0, 3], sizes = [8192, 1], strides = [1, 1]} : vector<8192x4xf32> to vector<8192x1xf32>
    %sub3A_886 = arith.constant 1.000000e+00 : f32
    %sub3A_887 = vector.broadcast %sub3A_886 : f32 to vector<8192x1xf32>
    %sub3A_888 = arith.subf %sub3A_887, %slice3A_885 : vector<8192x1xf32>
    %mul3A_889 = arith.constant 1.024000e+03 : f32
    %mul3A_890 = vector.broadcast %mul3A_889 : f32 to vector<8192x1xf32>
    %mul3A_891 = arith.mulf %sub3A_888, %mul3A_890 : vector<8192x1xf32>
    %add3A_892 = arith.addf %slice3A_884, %mul3A_891 : vector<8192x1xf32>
    %eq3A_893 = vector.broadcast %add3A_892 : vector<8192x1xf32> to vector<8192x128xf32>
    %eq3A_894 = arith.cmpf oeq, %eq3A_893, %convert_element_type3A_413 : vector<8192x128xf32>
    %convert_element_type3A_895 = arith.extui %eq3A_894 : vector<8192x128xi1> to vector<8192x128xi32>
    %convert_element_type3A_896 = arith.sitofp %convert_element_type3A_895 : vector<8192x128xi32> to vector<8192x128xf32>
    %slice3A_897 = vector.extract_strided_slice %floor3A {offsets = [3, 0], sizes = [1, 8192], strides = [1, 1]} : vector<4x8192xf32> to vector<1x8192xf32>
    %eq3A_898 = arith.constant 0.000000e+00 : f32
    %eq3A_899 = vector.broadcast %eq3A_898 : f32 to vector<1x8192xf32>
    %eq3A_900 = arith.cmpf oeq, %slice3A_897, %eq3A_899 : vector<1x8192xf32>
    %slice3A_901 = vector.extract_strided_slice %ge3A_398 {offsets = [3, 0], sizes = [1, 8192], strides = [1, 1]} : vector<4x8192xi1> to vector<1x8192xi1>
    %and3A_902 = arith.andi %eq3A_900, %slice3A_901 : vector<1x8192xi1>
    %convert_element_type3A_903 = arith.extui %and3A_902 : vector<1x8192xi1> to vector<1x8192xi32>
    %convert_element_type3A_904 = arith.sitofp %convert_element_type3A_903 : vector<1x8192xi32> to vector<1x8192xf32>
    %slice3A_905 = vector.extract_strided_slice %div3A_6 {offsets = [3, 0], sizes = [1, 8192], strides = [1, 1]} : vector<4x8192xf32> to vector<1x8192xf32>
    %mul3A_906 = arith.mulf %slice3A_905, %convert_element_type3A_904 : vector<1x8192xf32>
    %slice3A_907 = vector.extract_strided_slice %floor3A {offsets = [3, 0], sizes = [1, 8192], strides = [1, 1]} : vector<4x8192xf32> to vector<1x8192xf32>
    %eq3A_908 = arith.constant 1.000000e+00 : f32
    %eq3A_909 = vector.broadcast %eq3A_908 : f32 to vector<1x8192xf32>
    %eq3A_910 = arith.cmpf oeq, %slice3A_907, %eq3A_909 : vector<1x8192xf32>
    %slice3A_911 = vector.extract_strided_slice %ge3A_398 {offsets = [3, 0], sizes = [1, 8192], strides = [1, 1]} : vector<4x8192xi1> to vector<1x8192xi1>
    %and3A_912 = arith.andi %eq3A_910, %slice3A_911 : vector<1x8192xi1>
    %convert_element_type3A_913 = arith.extui %and3A_912 : vector<1x8192xi1> to vector<1x8192xi32>
    %convert_element_type3A_914 = arith.sitofp %convert_element_type3A_913 : vector<1x8192xi32> to vector<1x8192xf32>
    %slice3A_915 = vector.extract_strided_slice %div3A_6 {offsets = [3, 0], sizes = [1, 8192], strides = [1, 1]} : vector<4x8192xf32> to vector<1x8192xf32>
    %mul3A_916 = arith.mulf %slice3A_915, %convert_element_type3A_914 : vector<1x8192xf32>
    %slice3A_917 = vector.extract_strided_slice %floor3A {offsets = [3, 0], sizes = [1, 8192], strides = [1, 1]} : vector<4x8192xf32> to vector<1x8192xf32>
    %eq3A_918 = arith.constant 2.000000e+00 : f32
    %eq3A_919 = vector.broadcast %eq3A_918 : f32 to vector<1x8192xf32>
    %eq3A_920 = arith.cmpf oeq, %slice3A_917, %eq3A_919 : vector<1x8192xf32>
    %slice3A_921 = vector.extract_strided_slice %ge3A_398 {offsets = [3, 0], sizes = [1, 8192], strides = [1, 1]} : vector<4x8192xi1> to vector<1x8192xi1>
    %and3A_922 = arith.andi %eq3A_920, %slice3A_921 : vector<1x8192xi1>
    %convert_element_type3A_923 = arith.extui %and3A_922 : vector<1x8192xi1> to vector<1x8192xi32>
    %convert_element_type3A_924 = arith.sitofp %convert_element_type3A_923 : vector<1x8192xi32> to vector<1x8192xf32>
    %slice3A_925 = vector.extract_strided_slice %div3A_6 {offsets = [3, 0], sizes = [1, 8192], strides = [1, 1]} : vector<4x8192xf32> to vector<1x8192xf32>
    %mul3A_926 = arith.mulf %slice3A_925, %convert_element_type3A_924 : vector<1x8192xf32>
    %slice3A_927 = vector.extract_strided_slice %floor3A {offsets = [3, 0], sizes = [1, 8192], strides = [1, 1]} : vector<4x8192xf32> to vector<1x8192xf32>
    %eq3A_928 = arith.constant 3.000000e+00 : f32
    %eq3A_929 = vector.broadcast %eq3A_928 : f32 to vector<1x8192xf32>
    %eq3A_930 = arith.cmpf oeq, %slice3A_927, %eq3A_929 : vector<1x8192xf32>
    %slice3A_931 = vector.extract_strided_slice %ge3A_398 {offsets = [3, 0], sizes = [1, 8192], strides = [1, 1]} : vector<4x8192xi1> to vector<1x8192xi1>
    %and3A_932 = arith.andi %eq3A_930, %slice3A_931 : vector<1x8192xi1>
    %convert_element_type3A_933 = arith.extui %and3A_932 : vector<1x8192xi1> to vector<1x8192xi32>
    %convert_element_type3A_934 = arith.sitofp %convert_element_type3A_933 : vector<1x8192xi32> to vector<1x8192xf32>
    %slice3A_935 = vector.extract_strided_slice %div3A_6 {offsets = [3, 0], sizes = [1, 8192], strides = [1, 1]} : vector<4x8192xf32> to vector<1x8192xf32>
    %mul3A_936 = arith.mulf %slice3A_935, %convert_element_type3A_934 : vector<1x8192xf32>
    %slice3A_937 = vector.extract_strided_slice %floor3A {offsets = [3, 0], sizes = [1, 8192], strides = [1, 1]} : vector<4x8192xf32> to vector<1x8192xf32>
    %eq3A_938 = arith.constant 0.000000e+00 : f32
    %eq3A_939 = vector.broadcast %eq3A_938 : f32 to vector<1x8192xf32>
    %eq3A_940 = arith.cmpf oeq, %slice3A_937, %eq3A_939 : vector<1x8192xf32>
    %slice3A_941 = vector.extract_strided_slice %ge3A_398 {offsets = [3, 0], sizes = [1, 8192], strides = [1, 1]} : vector<4x8192xi1> to vector<1x8192xi1>
    %and3A_942 = arith.andi %eq3A_940, %slice3A_941 : vector<1x8192xi1>
    %convert_element_type3A_943 = arith.extui %and3A_942 : vector<1x8192xi1> to vector<1x8192xi32>
    %convert_element_type3A_944 = arith.sitofp %convert_element_type3A_943 : vector<1x8192xi32> to vector<1x8192xf32>
    %slice3A_945 = vector.extract_strided_slice %convert_element_type3A_411 {offsets = [3, 0], sizes = [1, 8192], strides = [1, 1]} : vector<4x8192xf32> to vector<1x8192xf32>
    %mul3A_946 = arith.mulf %slice3A_945, %convert_element_type3A_944 : vector<1x8192xf32>
    %slice3A_947 = vector.extract_strided_slice %floor3A {offsets = [3, 0], sizes = [1, 8192], strides = [1, 1]} : vector<4x8192xf32> to vector<1x8192xf32>
    %eq3A_948 = arith.constant 1.000000e+00 : f32
    %eq3A_949 = vector.broadcast %eq3A_948 : f32 to vector<1x8192xf32>
    %eq3A_950 = arith.cmpf oeq, %slice3A_947, %eq3A_949 : vector<1x8192xf32>
    %slice3A_951 = vector.extract_strided_slice %ge3A_398 {offsets = [3, 0], sizes = [1, 8192], strides = [1, 1]} : vector<4x8192xi1> to vector<1x8192xi1>
    %and3A_952 = arith.andi %eq3A_950, %slice3A_951 : vector<1x8192xi1>
    %convert_element_type3A_953 = arith.extui %and3A_952 : vector<1x8192xi1> to vector<1x8192xi32>
    %convert_element_type3A_954 = arith.sitofp %convert_element_type3A_953 : vector<1x8192xi32> to vector<1x8192xf32>
    %slice3A_955 = vector.extract_strided_slice %convert_element_type3A_411 {offsets = [3, 0], sizes = [1, 8192], strides = [1, 1]} : vector<4x8192xf32> to vector<1x8192xf32>
    %mul3A_956 = arith.mulf %slice3A_955, %convert_element_type3A_954 : vector<1x8192xf32>
    %slice3A_957 = vector.extract_strided_slice %floor3A {offsets = [3, 0], sizes = [1, 8192], strides = [1, 1]} : vector<4x8192xf32> to vector<1x8192xf32>
    %eq3A_958 = arith.constant 2.000000e+00 : f32
    %eq3A_959 = vector.broadcast %eq3A_958 : f32 to vector<1x8192xf32>
    %eq3A_960 = arith.cmpf oeq, %slice3A_957, %eq3A_959 : vector<1x8192xf32>
    %slice3A_961 = vector.extract_strided_slice %ge3A_398 {offsets = [3, 0], sizes = [1, 8192], strides = [1, 1]} : vector<4x8192xi1> to vector<1x8192xi1>
    %and3A_962 = arith.andi %eq3A_960, %slice3A_961 : vector<1x8192xi1>
    %convert_element_type3A_963 = arith.extui %and3A_962 : vector<1x8192xi1> to vector<1x8192xi32>
    %convert_element_type3A_964 = arith.sitofp %convert_element_type3A_963 : vector<1x8192xi32> to vector<1x8192xf32>
    %slice3A_965 = vector.extract_strided_slice %convert_element_type3A_411 {offsets = [3, 0], sizes = [1, 8192], strides = [1, 1]} : vector<4x8192xf32> to vector<1x8192xf32>
    %mul3A_966 = arith.mulf %slice3A_965, %convert_element_type3A_964 : vector<1x8192xf32>
    %slice3A_967 = vector.extract_strided_slice %floor3A {offsets = [3, 0], sizes = [1, 8192], strides = [1, 1]} : vector<4x8192xf32> to vector<1x8192xf32>
    %eq3A_968 = arith.constant 3.000000e+00 : f32
    %eq3A_969 = vector.broadcast %eq3A_968 : f32 to vector<1x8192xf32>
    %eq3A_970 = arith.cmpf oeq, %slice3A_967, %eq3A_969 : vector<1x8192xf32>
    %slice3A_971 = vector.extract_strided_slice %ge3A_398 {offsets = [3, 0], sizes = [1, 8192], strides = [1, 1]} : vector<4x8192xi1> to vector<1x8192xi1>
    %and3A_972 = arith.andi %eq3A_970, %slice3A_971 : vector<1x8192xi1>
    %convert_element_type3A_973 = arith.extui %and3A_972 : vector<1x8192xi1> to vector<1x8192xi32>
    %convert_element_type3A_974 = arith.sitofp %convert_element_type3A_973 : vector<1x8192xi32> to vector<1x8192xf32>
    %slice3A_975 = vector.extract_strided_slice %convert_element_type3A_411 {offsets = [3, 0], sizes = [1, 8192], strides = [1, 1]} : vector<4x8192xf32> to vector<1x8192xf32>
    %mul3A_976 = arith.mulf %slice3A_975, %convert_element_type3A_974 : vector<1x8192xf32>
    %concatenate3A_977 = tpu.concatenate %mul3A_906, %mul3A_916, %mul3A_926, %mul3A_936, %mul3A_946, %mul3A_956, %mul3A_966, %mul3A_976 in 0 : vector<1x8192xf32>, vector<1x8192xf32>, vector<1x8192xf32>, vector<1x8192xf32>, vector<1x8192xf32>, vector<1x8192xf32>, vector<1x8192xf32>, vector<1x8192xf32> -> vector<8x8192xf32>
    %dot_general3A_978 = arith.constant dense<0.000000e+00> : vector<8x128xf32>
    %dot_general3A_979 = tpu.matmul %concatenate3A_977, %convert_element_type3A_896, %dot_general3A_978 {dimension_numbers = #tpu.dot_dimension_numbers<[1], [0], [0], [1], [0, 0, 1, 1], [], []>, precision = #tpu.contract_precision<fp32>, transpose_lhs_hint = false} : vector<8x8192xf32>, vector<8192x128xf32>, vector<8x128xf32> -> vector<8x128xf32>
    %slice3A_980 = vector.extract_strided_slice %dot_general3A_979 {offsets = [0, 0], sizes = [1, 128], strides = [1, 1]} : vector<8x128xf32> to vector<1x128xf32>
    %slice3A_981 = vector.extract_strided_slice %dot_general3A_979 {offsets = [1, 0], sizes = [1, 128], strides = [1, 1]} : vector<8x128xf32> to vector<1x128xf32>
    %slice3A_982 = vector.extract_strided_slice %dot_general3A_979 {offsets = [2, 0], sizes = [1, 128], strides = [1, 1]} : vector<8x128xf32> to vector<1x128xf32>
    %slice3A_983 = vector.extract_strided_slice %dot_general3A_979 {offsets = [3, 0], sizes = [1, 128], strides = [1, 1]} : vector<8x128xf32> to vector<1x128xf32>
    %concatenate3A_984 = tpu.concatenate %slice3A_980, %slice3A_981, %slice3A_982, %slice3A_983 in 1 : vector<1x128xf32>, vector<1x128xf32>, vector<1x128xf32>, vector<1x128xf32> -> vector<1x512xf32>
    %slice3A_985 = vector.extract_strided_slice %dot_general3A_979 {offsets = [4, 0], sizes = [1, 128], strides = [1, 1]} : vector<8x128xf32> to vector<1x128xf32>
    %slice3A_986 = vector.extract_strided_slice %dot_general3A_979 {offsets = [5, 0], sizes = [1, 128], strides = [1, 1]} : vector<8x128xf32> to vector<1x128xf32>
    %slice3A_987 = vector.extract_strided_slice %dot_general3A_979 {offsets = [6, 0], sizes = [1, 128], strides = [1, 1]} : vector<8x128xf32> to vector<1x128xf32>
    %slice3A_988 = vector.extract_strided_slice %dot_general3A_979 {offsets = [7, 0], sizes = [1, 128], strides = [1, 1]} : vector<8x128xf32> to vector<1x128xf32>
    %concatenate3A_989 = tpu.concatenate %slice3A_985, %slice3A_986, %slice3A_987, %slice3A_988 in 1 : vector<1x128xf32>, vector<1x128xf32>, vector<1x128xf32>, vector<1x128xf32> -> vector<1x512xf32>
    %broadcast_in_dim3A_990 = arith.constant 1.000000e+00 : f32
    %broadcast_in_dim3A_991 = vector.broadcast %broadcast_in_dim3A_990 : f32 to vector<1x1xf32>
    %dot_general3A_992 = arith.constant dense<0.000000e+00> : vector<512x1xf32>
    %dot_general3A_993 = tpu.matmul %concatenate3A_666, %broadcast_in_dim3A_991, %dot_general3A_992 {dimension_numbers = #tpu.dot_dimension_numbers<[0], [0], [1], [1], [0, 1, 1, 1], [], []>, precision = #tpu.contract_precision<fp32>, transpose_lhs_hint = false} : vector<1x512xf32>, vector<1x1xf32>, vector<512x1xf32> -> vector<512x1xf32>
    %broadcast_in_dim3A_994 = arith.constant 1.000000e+00 : f32
    %broadcast_in_dim3A_995 = vector.broadcast %broadcast_in_dim3A_994 : f32 to vector<1x1xf32>
    %dot_general3A_996 = arith.constant dense<0.000000e+00> : vector<512x1xf32>
    %dot_general3A_997 = tpu.matmul %concatenate3A_671, %broadcast_in_dim3A_995, %dot_general3A_996 {dimension_numbers = #tpu.dot_dimension_numbers<[0], [0], [1], [1], [0, 1, 1, 1], [], []>, precision = #tpu.contract_precision<fp32>, transpose_lhs_hint = false} : vector<1x512xf32>, vector<1x1xf32>, vector<512x1xf32> -> vector<512x1xf32>
    %gt3A_998 = vector.broadcast %dot_general3A_993 : vector<512x1xf32> to vector<512x512xf32>
    %gt3A_999 = vector.broadcast %concatenate3A_666 : vector<1x512xf32> to vector<512x512xf32>
    %gt3A_1000 = arith.cmpf ogt, %gt3A_998, %gt3A_999 : vector<512x512xf32>
    %eq3A_1001 = vector.broadcast %dot_general3A_993 : vector<512x1xf32> to vector<512x512xf32>
    %eq3A_1002 = vector.broadcast %concatenate3A_666 : vector<1x512xf32> to vector<512x512xf32>
    %eq3A_1003 = arith.cmpf oeq, %eq3A_1001, %eq3A_1002 : vector<512x512xf32>
    %lt3A = vector.broadcast %dot_general3A_997 : vector<512x1xf32> to vector<512x512xf32>
    %lt3A_1004 = vector.broadcast %concatenate3A_671 : vector<1x512xf32> to vector<512x512xf32>
    %lt3A_1005 = arith.cmpf olt, %lt3A, %lt3A_1004 : vector<512x512xf32>
    %and3A_1006 = arith.andi %eq3A_1003, %lt3A_1005 : vector<512x512xi1>
    %or3A_1007 = arith.ori %gt3A_1000, %and3A_1006 : vector<512x512xi1>
    %convert_element_type3A_1008 = arith.extui %or3A_1007 : vector<512x512xi1> to vector<512x512xi32>
    %convert_element_type3A_1009 = arith.sitofp %convert_element_type3A_1008 : vector<512x512xi32> to vector<512x512xf32>
    %broadcast_in_dim3A_1010 = arith.constant 1.000000e+00 : f32
    %broadcast_in_dim3A_1011 = vector.broadcast %broadcast_in_dim3A_1010 : f32 to vector<1x512xf32>
    %dot_general3A_1012 = arith.constant dense<0.000000e+00> : vector<1x512xf32>
    %dot_general3A_1013 = tpu.matmul %broadcast_in_dim3A_1011, %convert_element_type3A_1009, %dot_general3A_1012 {dimension_numbers = #tpu.dot_dimension_numbers<[1], [0], [0], [1], [0, 0, 1, 1], [], []>, transpose_lhs_hint = false} : vector<1x512xf32>, vector<512x512xf32>, vector<1x512xf32> -> vector<1x512xf32>
    %broadcast_in_dim3A_1014 = arith.constant 1.000000e+00 : f32
    %broadcast_in_dim3A_1015 = vector.broadcast %broadcast_in_dim3A_1014 : f32 to vector<1x1xf32>
    %dot_general3A_1016 = arith.constant dense<0.000000e+00> : vector<512x1xf32>
    %dot_general3A_1017 = tpu.matmul %dot_general3A_1013, %broadcast_in_dim3A_1015, %dot_general3A_1016 {dimension_numbers = #tpu.dot_dimension_numbers<[0], [0], [1], [1], [0, 1, 1, 1], [], []>, precision = #tpu.contract_precision<fp32>, transpose_lhs_hint = false} : vector<1x512xf32>, vector<1x1xf32>, vector<512x1xf32> -> vector<512x1xf32>
    %eq3A_1018 = vector.broadcast %dot_general3A_1017 : vector<512x1xf32> to vector<512x256xf32>
    %eq3A_1019 = arith.cmpf oeq, %eq3A_1018, %convert_element_type3A_409 : vector<512x256xf32>
    %convert_element_type3A_1020 = arith.extui %eq3A_1019 : vector<512x256xi1> to vector<512x256xi32>
    %convert_element_type3A_1021 = arith.sitofp %convert_element_type3A_1020 : vector<512x256xi32> to vector<512x256xf32>
    %dot_general3A_1022 = arith.constant dense<0.000000e+00> : vector<1x256xf32>
    %dot_general3A_1023 = tpu.matmul %concatenate3A_671, %convert_element_type3A_1021, %dot_general3A_1022 {dimension_numbers = #tpu.dot_dimension_numbers<[1], [0], [0], [1], [0, 0, 1, 1], [], []>, precision = #tpu.contract_precision<fp32>, transpose_lhs_hint = false} : vector<1x512xf32>, vector<512x256xf32>, vector<1x256xf32> -> vector<1x256xf32>
    %convert_element_type3A_1024 = arith.fptosi %dot_general3A_1023 : vector<1x256xf32> to vector<1x256xi32>
    %swap3A_1025 = arith.constant 0 : index
    %swap3A_1026 = arith.constant 0 : index
    %swap3A_1027 = vector.load %arg2[%swap3A_1025, %swap3A_1026] : memref<4x256xi32, #tpu.memory_space<vmem>>, vector<1x256xi32>
    tpu.vector_store %arg2[%swap3A_1025, %swap3A_1026], %convert_element_type3A_1024 {strides = array<i32>} : memref<4x256xi32, #tpu.memory_space<vmem>>, vector<1x256xi32>,
    %add3A_1028 = arith.constant 0 : i32
    %add3A_1029 = vector.broadcast %add3A_1028 : i32 to vector<1x256xi32>
    %add3A_1030 = arith.addi %convert_element_type3A_1024, %add3A_1029 : vector<1x256xi32>
    %swap3A_1031 = arith.constant 0 : index
    %swap3A_1032 = arith.constant 0 : index
    %swap3A_1033 = vector.load %arg3[%swap3A_1031, %swap3A_1032] : memref<4x256xi32, #tpu.memory_space<vmem>>, vector<1x256xi32>
    tpu.vector_store %arg3[%swap3A_1031, %swap3A_1032], %add3A_1030 {strides = array<i32>} : memref<4x256xi32, #tpu.memory_space<vmem>>, vector<1x256xi32>,
    %broadcast_in_dim3A_1034 = arith.constant 1.000000e+00 : f32
    %broadcast_in_dim3A_1035 = vector.broadcast %broadcast_in_dim3A_1034 : f32 to vector<1x1xf32>
    %dot_general3A_1036 = arith.constant dense<0.000000e+00> : vector<512x1xf32>
    %dot_general3A_1037 = tpu.matmul %concatenate3A_772, %broadcast_in_dim3A_1035, %dot_general3A_1036 {dimension_numbers = #tpu.dot_dimension_numbers<[0], [0], [1], [1], [0, 1, 1, 1], [], []>, precision = #tpu.contract_precision<fp32>, transpose_lhs_hint = false} : vector<1x512xf32>, vector<1x1xf32>, vector<512x1xf32> -> vector<512x1xf32>
    %broadcast_in_dim3A_1038 = arith.constant 1.000000e+00 : f32
    %broadcast_in_dim3A_1039 = vector.broadcast %broadcast_in_dim3A_1038 : f32 to vector<1x1xf32>
    %dot_general3A_1040 = arith.constant dense<0.000000e+00> : vector<512x1xf32>
    %dot_general3A_1041 = tpu.matmul %concatenate3A_777, %broadcast_in_dim3A_1039, %dot_general3A_1040 {dimension_numbers = #tpu.dot_dimension_numbers<[0], [0], [1], [1], [0, 1, 1, 1], [], []>, precision = #tpu.contract_precision<fp32>, transpose_lhs_hint = false} : vector<1x512xf32>, vector<1x1xf32>, vector<512x1xf32> -> vector<512x1xf32>
    %gt3A_1042 = vector.broadcast %dot_general3A_1037 : vector<512x1xf32> to vector<512x512xf32>
    %gt3A_1043 = vector.broadcast %concatenate3A_772 : vector<1x512xf32> to vector<512x512xf32>
    %gt3A_1044 = arith.cmpf ogt, %gt3A_1042, %gt3A_1043 : vector<512x512xf32>
    %eq3A_1045 = vector.broadcast %dot_general3A_1037 : vector<512x1xf32> to vector<512x512xf32>
    %eq3A_1046 = vector.broadcast %concatenate3A_772 : vector<1x512xf32> to vector<512x512xf32>
    %eq3A_1047 = arith.cmpf oeq, %eq3A_1045, %eq3A_1046 : vector<512x512xf32>
    %lt3A_1048 = vector.broadcast %dot_general3A_1041 : vector<512x1xf32> to vector<512x512xf32>
    %lt3A_1049 = vector.broadcast %concatenate3A_777 : vector<1x512xf32> to vector<512x512xf32>
    %lt3A_1050 = arith.cmpf olt, %lt3A_1048, %lt3A_1049 : vector<512x512xf32>
    %and3A_1051 = arith.andi %eq3A_1047, %lt3A_1050 : vector<512x512xi1>
    %or3A_1052 = arith.ori %gt3A_1044, %and3A_1051 : vector<512x512xi1>
    %convert_element_type3A_1053 = arith.extui %or3A_1052 : vector<512x512xi1> to vector<512x512xi32>
    %convert_element_type3A_1054 = arith.sitofp %convert_element_type3A_1053 : vector<512x512xi32> to vector<512x512xf32>
    %broadcast_in_dim3A_1055 = arith.constant 1.000000e+00 : f32
    %broadcast_in_dim3A_1056 = vector.broadcast %broadcast_in_dim3A_1055 : f32 to vector<1x512xf32>
    %dot_general3A_1057 = arith.constant dense<0.000000e+00> : vector<1x512xf32>
    %dot_general3A_1058 = tpu.matmul %broadcast_in_dim3A_1056, %convert_element_type3A_1054, %dot_general3A_1057 {dimension_numbers = #tpu.dot_dimension_numbers<[1], [0], [0], [1], [0, 0, 1, 1], [], []>, transpose_lhs_hint = false} : vector<1x512xf32>, vector<512x512xf32>, vector<1x512xf32> -> vector<1x512xf32>
    %broadcast_in_dim3A_1059 = arith.constant 1.000000e+00 : f32
    %broadcast_in_dim3A_1060 = vector.broadcast %broadcast_in_dim3A_1059 : f32 to vector<1x1xf32>
    %dot_general3A_1061 = arith.constant dense<0.000000e+00> : vector<512x1xf32>
    %dot_general3A_1062 = tpu.matmul %dot_general3A_1058, %broadcast_in_dim3A_1060, %dot_general3A_1061 {dimension_numbers = #tpu.dot_dimension_numbers<[0], [0], [1], [1], [0, 1, 1, 1], [], []>, precision = #tpu.contract_precision<fp32>, transpose_lhs_hint = false} : vector<1x512xf32>, vector<1x1xf32>, vector<512x1xf32> -> vector<512x1xf32>
    %eq3A_1063 = vector.broadcast %dot_general3A_1062 : vector<512x1xf32> to vector<512x256xf32>
    %eq3A_1064 = arith.cmpf oeq, %eq3A_1063, %convert_element_type3A_409 : vector<512x256xf32>
    %convert_element_type3A_1065 = arith.extui %eq3A_1064 : vector<512x256xi1> to vector<512x256xi32>
    %convert_element_type3A_1066 = arith.sitofp %convert_element_type3A_1065 : vector<512x256xi32> to vector<512x256xf32>
    %dot_general3A_1067 = arith.constant dense<0.000000e+00> : vector<1x256xf32>
    %dot_general3A_1068 = tpu.matmul %concatenate3A_777, %convert_element_type3A_1066, %dot_general3A_1067 {dimension_numbers = #tpu.dot_dimension_numbers<[1], [0], [0], [1], [0, 0, 1, 1], [], []>, precision = #tpu.contract_precision<fp32>, transpose_lhs_hint = false} : vector<1x512xf32>, vector<512x256xf32>, vector<1x256xf32> -> vector<1x256xf32>
    %convert_element_type3A_1069 = arith.fptosi %dot_general3A_1068 : vector<1x256xf32> to vector<1x256xi32>
    %swap3A_1070 = arith.constant 1 : index
    %swap3A_1071 = arith.constant 0 : index
    %swap3A_1072 = vector.load %arg2[%swap3A_1070, %swap3A_1071] : memref<4x256xi32, #tpu.memory_space<vmem>>, vector<1x256xi32>
    tpu.vector_store %arg2[%swap3A_1070, %swap3A_1071], %convert_element_type3A_1069 {strides = array<i32>} : memref<4x256xi32, #tpu.memory_space<vmem>>, vector<1x256xi32>,
    %add3A_1073 = arith.constant 8192 : i32
    %add3A_1074 = vector.broadcast %add3A_1073 : i32 to vector<1x256xi32>
    %add3A_1075 = arith.addi %convert_element_type3A_1069, %add3A_1074 : vector<1x256xi32>
    %swap3A_1076 = arith.constant 1 : index
    %swap3A_1077 = arith.constant 0 : index
    %swap3A_1078 = vector.load %arg3[%swap3A_1076, %swap3A_1077] : memref<4x256xi32, #tpu.memory_space<vmem>>, vector<1x256xi32>
    tpu.vector_store %arg3[%swap3A_1076, %swap3A_1077], %add3A_1075 {strides = array<i32>} : memref<4x256xi32, #tpu.memory_space<vmem>>, vector<1x256xi32>,
    %broadcast_in_dim3A_1079 = arith.constant 1.000000e+00 : f32
    %broadcast_in_dim3A_1080 = vector.broadcast %broadcast_in_dim3A_1079 : f32 to vector<1x1xf32>
    %dot_general3A_1081 = arith.constant dense<0.000000e+00> : vector<512x1xf32>
    %dot_general3A_1082 = tpu.matmul %concatenate3A_878, %broadcast_in_dim3A_1080, %dot_general3A_1081 {dimension_numbers = #tpu.dot_dimension_numbers<[0], [0], [1], [1], [0, 1, 1, 1], [], []>, precision = #tpu.contract_precision<fp32>, transpose_lhs_hint = false} : vector<1x512xf32>, vector<1x1xf32>, vector<512x1xf32> -> vector<512x1xf32>
    %broadcast_in_dim3A_1083 = arith.constant 1.000000e+00 : f32
    %broadcast_in_dim3A_1084 = vector.broadcast %broadcast_in_dim3A_1083 : f32 to vector<1x1xf32>
    %dot_general3A_1085 = arith.constant dense<0.000000e+00> : vector<512x1xf32>
    %dot_general3A_1086 = tpu.matmul %concatenate3A_883, %broadcast_in_dim3A_1084, %dot_general3A_1085 {dimension_numbers = #tpu.dot_dimension_numbers<[0], [0], [1], [1], [0, 1, 1, 1], [], []>, precision = #tpu.contract_precision<fp32>, transpose_lhs_hint = false} : vector<1x512xf32>, vector<1x1xf32>, vector<512x1xf32> -> vector<512x1xf32>
    %gt3A_1087 = vector.broadcast %dot_general3A_1082 : vector<512x1xf32> to vector<512x512xf32>
    %gt3A_1088 = vector.broadcast %concatenate3A_878 : vector<1x512xf32> to vector<512x512xf32>
    %gt3A_1089 = arith.cmpf ogt, %gt3A_1087, %gt3A_1088 : vector<512x512xf32>
    %eq3A_1090 = vector.broadcast %dot_general3A_1082 : vector<512x1xf32> to vector<512x512xf32>
    %eq3A_1091 = vector.broadcast %concatenate3A_878 : vector<1x512xf32> to vector<512x512xf32>
    %eq3A_1092 = arith.cmpf oeq, %eq3A_1090, %eq3A_1091 : vector<512x512xf32>
    %lt3A_1093 = vector.broadcast %dot_general3A_1086 : vector<512x1xf32> to vector<512x512xf32>
    %lt3A_1094 = vector.broadcast %concatenate3A_883 : vector<1x512xf32> to vector<512x512xf32>
    %lt3A_1095 = arith.cmpf olt, %lt3A_1093, %lt3A_1094 : vector<512x512xf32>
    %and3A_1096 = arith.andi %eq3A_1092, %lt3A_1095 : vector<512x512xi1>
    %or3A_1097 = arith.ori %gt3A_1089, %and3A_1096 : vector<512x512xi1>
    %convert_element_type3A_1098 = arith.extui %or3A_1097 : vector<512x512xi1> to vector<512x512xi32>
    %convert_element_type3A_1099 = arith.sitofp %convert_element_type3A_1098 : vector<512x512xi32> to vector<512x512xf32>
    %broadcast_in_dim3A_1100 = arith.constant 1.000000e+00 : f32
    %broadcast_in_dim3A_1101 = vector.broadcast %broadcast_in_dim3A_1100 : f32 to vector<1x512xf32>
    %dot_general3A_1102 = arith.constant dense<0.000000e+00> : vector<1x512xf32>
    %dot_general3A_1103 = tpu.matmul %broadcast_in_dim3A_1101, %convert_element_type3A_1099, %dot_general3A_1102 {dimension_numbers = #tpu.dot_dimension_numbers<[1], [0], [0], [1], [0, 0, 1, 1], [], []>, transpose_lhs_hint = false} : vector<1x512xf32>, vector<512x512xf32>, vector<1x512xf32> -> vector<1x512xf32>
    %broadcast_in_dim3A_1104 = arith.constant 1.000000e+00 : f32
    %broadcast_in_dim3A_1105 = vector.broadcast %broadcast_in_dim3A_1104 : f32 to vector<1x1xf32>
    %dot_general3A_1106 = arith.constant dense<0.000000e+00> : vector<512x1xf32>
    %dot_general3A_1107 = tpu.matmul %dot_general3A_1103, %broadcast_in_dim3A_1105, %dot_general3A_1106 {dimension_numbers = #tpu.dot_dimension_numbers<[0], [0], [1], [1], [0, 1, 1, 1], [], []>, precision = #tpu.contract_precision<fp32>, transpose_lhs_hint = false} : vector<1x512xf32>, vector<1x1xf32>, vector<512x1xf32> -> vector<512x1xf32>
    %eq3A_1108 = vector.broadcast %dot_general3A_1107 : vector<512x1xf32> to vector<512x256xf32>
    %eq3A_1109 = arith.cmpf oeq, %eq3A_1108, %convert_element_type3A_409 : vector<512x256xf32>
    %convert_element_type3A_1110 = arith.extui %eq3A_1109 : vector<512x256xi1> to vector<512x256xi32>
    %convert_element_type3A_1111 = arith.sitofp %convert_element_type3A_1110 : vector<512x256xi32> to vector<512x256xf32>
    %dot_general3A_1112 = arith.constant dense<0.000000e+00> : vector<1x256xf32>
    %dot_general3A_1113 = tpu.matmul %concatenate3A_883, %convert_element_type3A_1111, %dot_general3A_1112 {dimension_numbers = #tpu.dot_dimension_numbers<[1], [0], [0], [1], [0, 0, 1, 1], [], []>, precision = #tpu.contract_precision<fp32>, transpose_lhs_hint = false} : vector<1x512xf32>, vector<512x256xf32>, vector<1x256xf32> -> vector<1x256xf32>
    %convert_element_type3A_1114 = arith.fptosi %dot_general3A_1113 : vector<1x256xf32> to vector<1x256xi32>
    %swap3A_1115 = arith.constant 2 : index
    %swap3A_1116 = arith.constant 0 : index
    %swap3A_1117 = vector.load %arg2[%swap3A_1115, %swap3A_1116] : memref<4x256xi32, #tpu.memory_space<vmem>>, vector<1x256xi32>
    tpu.vector_store %arg2[%swap3A_1115, %swap3A_1116], %convert_element_type3A_1114 {strides = array<i32>} : memref<4x256xi32, #tpu.memory_space<vmem>>, vector<1x256xi32>,
    %add3A_1118 = arith.constant 16384 : i32
    %add3A_1119 = vector.broadcast %add3A_1118 : i32 to vector<1x256xi32>
    %add3A_1120 = arith.addi %convert_element_type3A_1114, %add3A_1119 : vector<1x256xi32>
    %swap3A_1121 = arith.constant 2 : index
    %swap3A_1122 = arith.constant 0 : index
    %swap3A_1123 = vector.load %arg3[%swap3A_1121, %swap3A_1122] : memref<4x256xi32, #tpu.memory_space<vmem>>, vector<1x256xi32>
    tpu.vector_store %arg3[%swap3A_1121, %swap3A_1122], %add3A_1120 {strides = array<i32>} : memref<4x256xi32, #tpu.memory_space<vmem>>, vector<1x256xi32>,
    %broadcast_in_dim3A_1124 = arith.constant 1.000000e+00 : f32
    %broadcast_in_dim3A_1125 = vector.broadcast %broadcast_in_dim3A_1124 : f32 to vector<1x1xf32>
    %dot_general3A_1126 = arith.constant dense<0.000000e+00> : vector<512x1xf32>
    %dot_general3A_1127 = tpu.matmul %concatenate3A_984, %broadcast_in_dim3A_1125, %dot_general3A_1126 {dimension_numbers = #tpu.dot_dimension_numbers<[0], [0], [1], [1], [0, 1, 1, 1], [], []>, precision = #tpu.contract_precision<fp32>, transpose_lhs_hint = false} : vector<1x512xf32>, vector<1x1xf32>, vector<512x1xf32> -> vector<512x1xf32>
    %broadcast_in_dim3A_1128 = arith.constant 1.000000e+00 : f32
    %broadcast_in_dim3A_1129 = vector.broadcast %broadcast_in_dim3A_1128 : f32 to vector<1x1xf32>
    %dot_general3A_1130 = arith.constant dense<0.000000e+00> : vector<512x1xf32>
    %dot_general3A_1131 = tpu.matmul %concatenate3A_989, %broadcast_in_dim3A_1129, %dot_general3A_1130 {dimension_numbers = #tpu.dot_dimension_numbers<[0], [0], [1], [1], [0, 1, 1, 1], [], []>, precision = #tpu.contract_precision<fp32>, transpose_lhs_hint = false} : vector<1x512xf32>, vector<1x1xf32>, vector<512x1xf32> -> vector<512x1xf32>
    %gt3A_1132 = vector.broadcast %dot_general3A_1127 : vector<512x1xf32> to vector<512x512xf32>
    %gt3A_1133 = vector.broadcast %concatenate3A_984 : vector<1x512xf32> to vector<512x512xf32>
    %gt3A_1134 = arith.cmpf ogt, %gt3A_1132, %gt3A_1133 : vector<512x512xf32>
    %eq3A_1135 = vector.broadcast %dot_general3A_1127 : vector<512x1xf32> to vector<512x512xf32>
    %eq3A_1136 = vector.broadcast %concatenate3A_984 : vector<1x512xf32> to vector<512x512xf32>
    %eq3A_1137 = arith.cmpf oeq, %eq3A_1135, %eq3A_1136 : vector<512x512xf32>
    %lt3A_1138 = vector.broadcast %dot_general3A_1131 : vector<512x1xf32> to vector<512x512xf32>
    %lt3A_1139 = vector.broadcast %concatenate3A_989 : vector<1x512xf32> to vector<512x512xf32>
    %lt3A_1140 = arith.cmpf olt, %lt3A_1138, %lt3A_1139 : vector<512x512xf32>
    %and3A_1141 = arith.andi %eq3A_1137, %lt3A_1140 : vector<512x512xi1>
    %or3A_1142 = arith.ori %gt3A_1134, %and3A_1141 : vector<512x512xi1>
    %convert_element_type3A_1143 = arith.extui %or3A_1142 : vector<512x512xi1> to vector<512x512xi32>
    %convert_element_type3A_1144 = arith.sitofp %convert_element_type3A_1143 : vector<512x512xi32> to vector<512x512xf32>
    %broadcast_in_dim3A_1145 = arith.constant 1.000000e+00 : f32
    %broadcast_in_dim3A_1146 = vector.broadcast %broadcast_in_dim3A_1145 : f32 to vector<1x512xf32>
    %dot_general3A_1147 = arith.constant dense<0.000000e+00> : vector<1x512xf32>
    %dot_general3A_1148 = tpu.matmul %broadcast_in_dim3A_1146, %convert_element_type3A_1144, %dot_general3A_1147 {dimension_numbers = #tpu.dot_dimension_numbers<[1], [0], [0], [1], [0, 0, 1, 1], [], []>, transpose_lhs_hint = false} : vector<1x512xf32>, vector<512x512xf32>, vector<1x512xf32> -> vector<1x512xf32>
    %broadcast_in_dim3A_1149 = arith.constant 1.000000e+00 : f32
    %broadcast_in_dim3A_1150 = vector.broadcast %broadcast_in_dim3A_1149 : f32 to vector<1x1xf32>
    %dot_general3A_1151 = arith.constant dense<0.000000e+00> : vector<512x1xf32>
    %dot_general3A_1152 = tpu.matmul %dot_general3A_1148, %broadcast_in_dim3A_1150, %dot_general3A_1151 {dimension_numbers = #tpu.dot_dimension_numbers<[0], [0], [1], [1], [0, 1, 1, 1], [], []>, precision = #tpu.contract_precision<fp32>, transpose_lhs_hint = false} : vector<1x512xf32>, vector<1x1xf32>, vector<512x1xf32> -> vector<512x1xf32>
    %eq3A_1153 = vector.broadcast %dot_general3A_1152 : vector<512x1xf32> to vector<512x256xf32>
    %eq3A_1154 = arith.cmpf oeq, %eq3A_1153, %convert_element_type3A_409 : vector<512x256xf32>
    %convert_element_type3A_1155 = arith.extui %eq3A_1154 : vector<512x256xi1> to vector<512x256xi32>
    %convert_element_type3A_1156 = arith.sitofp %convert_element_type3A_1155 : vector<512x256xi32> to vector<512x256xf32>
    %dot_general3A_1157 = arith.constant dense<0.000000e+00> : vector<1x256xf32>
    %dot_general3A_1158 = tpu.matmul %concatenate3A_989, %convert_element_type3A_1156, %dot_general3A_1157 {dimension_numbers = #tpu.dot_dimension_numbers<[1], [0], [0], [1], [0, 0, 1, 1], [], []>, precision = #tpu.contract_precision<fp32>, transpose_lhs_hint = false} : vector<1x512xf32>, vector<512x256xf32>, vector<1x256xf32> -> vector<1x256xf32>
    %convert_element_type3A_1159 = arith.fptosi %dot_general3A_1158 : vector<1x256xf32> to vector<1x256xi32>
    %swap3A_1160 = arith.constant 3 : index
    %swap3A_1161 = arith.constant 0 : index
    %swap3A_1162 = vector.load %arg2[%swap3A_1160, %swap3A_1161] : memref<4x256xi32, #tpu.memory_space<vmem>>, vector<1x256xi32>
    tpu.vector_store %arg2[%swap3A_1160, %swap3A_1161], %convert_element_type3A_1159 {strides = array<i32>} : memref<4x256xi32, #tpu.memory_space<vmem>>, vector<1x256xi32>,
    %add3A_1163 = arith.constant 24576 : i32
    %add3A_1164 = vector.broadcast %add3A_1163 : i32 to vector<1x256xi32>
    %add3A_1165 = arith.addi %convert_element_type3A_1159, %add3A_1164 : vector<1x256xi32>
    %swap3A_1166 = arith.constant 3 : index
    %swap3A_1167 = arith.constant 0 : index
    %swap3A_1168 = vector.load %arg3[%swap3A_1166, %swap3A_1167] : memref<4x256xi32, #tpu.memory_space<vmem>>, vector<1x256xi32>
    tpu.vector_store %arg3[%swap3A_1166, %swap3A_1167], %add3A_1165 {strides = array<i32>} : memref<4x256xi32, #tpu.memory_space<vmem>>, vector<1x256xi32>,
    return
  }
}

</mosaic_0001>

<sc_bundles>
// kernel: kernel.5.cloned.1.call-start
scs
__scs_entry_jumppad:
0x0: {  	(pc) =	sbr.rel $0x88, $3  }
0x1: {  	(tag) =	ssettag $0x0;
	lr =	simm.s32 $0x1  }
0x2: {  	[smem:$0x3F9E] =	sst lr;
	_ =	strace $0xD0000000  }
0x3: {  	_ = 	snop  }
0x4: {  	_ = 	snop  }
0x5: {  	_ = 	snop  }
0x6: {  	_ = 	snop  }
0x7: {  	_ = 	snop  }
__scs_overlays_trampoline_lowered:
0x8: {  	[smem:$0x3FAD] =	sst s0  }
0x9: {  	[smem:$0x3FAE] =	sst s1  }
0xa: {  	[smem:$0x3FAF] =	sst s2  }
0xb: {  	[smem:$0x3FB0] =	sst s3  }
0xc: {  	[smem:$0x3FB1] =	sst s4  }
0xd: {  	[smem:$0x3FB2] =	sst s5  }
0xe: {  	[smem:$0x3FB3] =	sst s6  }
0xf: {  	[smem:$0x3FB4] =	sst s7  }
0x10: {  	[smem:$0x3FB5] =	sst s8  }
0x11: {  	[smem:$0x3FB6] =	sst s9;
	s0 =	simm.s32 @!p0 $0x0  }
0x12: {  	s1 =	sld [smem:$0x3F9C];
	s0 =	simm.s32 @p0 $0x1  }
0x13: {  	[smem:$0x3FB7] =	sst s0;
	s0 =	simm.s32 @!p1 $0x0  }
0x14: {  	s2 =	sld [smem:$0x3F9B];
	s0 =	simm.s32 @p1 $0x1  }
0x15: {  	[smem:$0x3FB8] =	sst s0;
	s0 =	simm.s32 @!p2 $0x0  }
0x16: {  	s3 =	sld [smem:$0x3FDB];
	s0 =	simm.s32 @p2 $0x1  }
0x17: {  	s4 =	simm.s32 $0x1BF5;
	[smem:$0x3FBA] =	sst s0  }
0x18: {  	s0 =	sld [smem:$0x3F9D];
	_ =	swait.ge [sflag:s4], $0x0  }
0x19: {  	s7 =	sld [smem:$0x3F9E]  }
0x1a: {  	s8 =	sadd.s32 $0xFFFFE003, lr  }
0x1b: {  	s9 =	sadd.s32 $0xFFFFFEF7, lr;
	s5 =	simm.s32 $0xFFFFFFFF;
	p2 =	slt.u32 s8, $0xFFFFF086  }
0x1c: {  	p1 =	slt.u32 s9, $0xF7A;
	s5 =	simm.s32 @!p2 $0x0  }
0x1d: {  	s5 =	simm.s32 @p1 $0x1;
	p0 =	seq.s32 s7, s2  }
0x1e: {  	s7 =	smul.u32 @!p0 $0xF7A, s2;
	p2 =	seq.s32 @!p0 s5, $0x0  }
0x1f: {  	s9 =	smul.u32 $0xF7A, s1;
	s8 =	simm.s32 @!p0 $0x1BF5;
	p2 =	por !p2, p0  }
0x20: {  	[sflag:s8] =	ssyncset.s32 @!p0 $0xFFFFF086;
	s6 =	sadd.s32 @!p0 s3, s7;
	s7 =	simm.s32 @!p0 $0x108  }
0x21: {  	s3 =	sadd.s32 s3, s9;
	s6 =	sadd.s32 @!p0 $0x88, s6;
	s7 =	simm.s32 @p2 $0x1082  }
0x22: {  	[simem:s7], [sflag:s8] =	dma.local @!p0 [hbm:s6], $0xF7A  }
0x23: {  	s9 =	sor.u32 $0xD0000000, s2;
	s6 =	simm.s32 $0x108;
	_ =	swait.ge @!p0 [sflag:s8], $0x0  }
0x24: {  	s3 =	sadd.s32 $0x88, s3;
	s6 =	simm.s32 @!p1 $0x1082;
	[sflag:s4] =	ssyncset.s32 $0xFFFFF086  }
0x25: {  	[simem:s6], [sflag:s4] =	dma.local [hbm:s3], $0xF7A  }
0x26: {  	[smem:$0x3F9E] =	sst s1;
	(tag) =	ssettag s2;
	_ =	strace s9  }
0x27: {  	s1 =	sld [smem:$0x3FAE]  }
0x28: {  	s2 =	sld [smem:$0x3FAF]  }
0x29: {  	s4 =	sld [smem:$0x3FB1]  }
0x2a: {  	p0 =	seq.s32 s5, $0x0;
	s5 =	sld [smem:$0x3FB2]  }
0x2b: {  	s6 =	sld [smem:$0x3FB3]  }
0x2c: {  	s7 =	sld [smem:$0x3FB4]  }
0x2d: {  	s3 =	simm.s32 $0x108;
	s8 =	sld [smem:$0x3FB5]  }
0x2e: {  	s3 =	simm.s32 @!p0 $0x1082;
	s9 =	sld [smem:$0x3FB6]  }
0x2f: {  	lr =	sadd.s32 s0, s3;
	s0 =	sld [smem:$0x3FAD]  }
0x30: {  	s3 =	sld [smem:$0x3FB0]  }
0x31: {  	[smem:$0x3FB9] =	sst s10  }
0x32: {  	s10 =	sld [smem:$0x3FB7];
	_ =	sdelay $0x3  }
0x33: {  	p0 =	seq.s32 s10, $0x1;
	s10 =	sld [smem:$0x3FB9];
	_ =	sdelay $0x3  }
0x34: {  	[smem:$0x3FB9] =	sst s10  }
0x35: {  	s10 =	sld [smem:$0x3FB8];
	_ =	sdelay $0x3  }
0x36: {  	p1 =	seq.s32 s10, $0x1;
	s10 =	sld [smem:$0x3FB9];
	_ =	sdelay $0x3  }
0x37: {  	[smem:$0x3FB9] =	sst s10  }
0x38: {  	s10 =	sld [smem:$0x3FBA]  }
0x39: {  	_ = 	snop;
	(pc) =	sbr.ind lr, $3  }
0x3a: {  	_ = 	snop  }
0x3b: {  	_ = 	snop  }
0x3c: {  	p2 =	seq.s32 s10, $0x1;
	s10 =	sld [smem:$0x3FB9]  }
0x3d: {  	_ =	shalt  }
0x3e: {  	_ =	shalt  }
0x3f: {  	_ =	shalt  }
0x40: {  	_ =	shalt  }
0x41: {  	_ =	shalt  }
0x42: {  	_ =	shalt  }
0x43: {  	_ =	shalt  }
0x44: {  	_ =	shalt  }
0x45: {  	_ =	shalt  }
0x46: {  	_ =	shalt  }
0x47: {  	_ =	shalt  }
0x48: {  	_ =	shalt  }
0x49: {  	_ =	shalt  }
0x4a: {  	_ =	shalt  }
0x4b: {  	_ =	shalt  }
0x4c: {  	_ =	shalt  }
0x4d: {  	_ =	shalt  }
0x4e: {  	_ =	shalt  }
0x4f: {  	_ =	shalt  }
0x50: {  	_ =	shalt  }
0x51: {  	_ =	shalt  }
0x52: {  	_ =	shalt  }
0x53: {  	_ =	shalt  }
0x54: {  	_ =	shalt  }
0x55: {  	_ =	shalt  }
0x56: {  	_ =	shalt  }
0x57: {  	_ =	shalt  }
0x58: {  	_ =	shalt  }
0x59: {  	_ =	shalt  }
0x5a: {  	_ =	shalt  }
0x5b: {  	_ =	shalt  }
0x5c: {  	_ =	shalt  }
0x5d: {  	_ =	shalt  }
0x5e: {  	_ =	shalt  }
0x5f: {  	_ =	shalt  }
0x60: {  	_ =	shalt  }
0x61: {  	_ =	shalt  }
0x62: {  	_ =	shalt  }
0x63: {  	_ =	shalt  }
0x64: {  	_ =	shalt  }
0x65: {  	_ =	shalt  }
0x66: {  	_ =	shalt  }
0x67: {  	_ =	shalt  }
0x68: {  	_ =	shalt  }
0x69: {  	_ =	shalt  }
0x6a: {  	_ =	shalt  }
0x6b: {  	_ =	shalt  }
0x6c: {  	_ =	shalt  }
0x6d: {  	_ =	shalt  }
0x6e: {  	_ =	shalt  }
0x6f: {  	_ =	shalt  }
0x70: {  	_ =	shalt  }
0x71: {  	_ =	shalt  }
0x72: {  	_ =	shalt  }
0x73: {  	_ =	shalt  }
0x74: {  	_ =	shalt  }
0x75: {  	_ =	shalt  }
0x76: {  	_ =	shalt  }
0x77: {  	_ =	shalt  }
0x78: {  	_ =	shalt  }
0x79: {  	_ =	shalt  }
0x7a: {  	_ =	shalt  }
0x7b: {  	_ =	shalt  }
0x7c: {  	_ =	shalt  }
0x7d: {  	_ =	shalt  }
0x7e: {  	_ =	shalt  }
0x7f: {  	_ =	shalt  }
0x80: {  	_ =	shalt  }
0x81: {  	_ =	shalt  }
0x82: {  	_ =	shalt  }
0x83: {  	_ =	shalt  }
0x84: {  	_ =	shalt  }
0x85: {  	_ =	shalt  }
0x86: {  	_ =	shalt  }
0x87: {  	_ =	shalt  }
.Lfunc_end0:
.L_simem_size_0:
called_computation_lowered:
.L_overlay_start_0:
0x88: {  	s2 =	sld [smem:$0x3FD9]  }
0x89: {  	s3 =	sld [smem:$0x3FFE];
	_ =	sdelay $0x1  }
0x8a: {  	s1 =	srdreg.scid  }
0x8b: {  	s0 =	sand.u32 $0x1, s1  }
0x8c: {  	s14 =	sshll.u32 s0, $0xA;
	s2 =	sadd.s32 s3, s2  }
0x8d: {  	s2 =	sadd.s32 s2, s14  }
0x8e: {  	[smem:$0x3FC5] =	sst s2  }
0x8f: {  	_ = 	snop  }
0x90: {  	s2 =	sld [smem:$0x3FD0];
	_ =	sdelay $0x2  }
0x91: {  	s4 =	simm.s32 $0xA;
	s5 =	simm.s32 $0x10;
	s15 =	sld [smem:$0x3FC9]  }
0x92: {  	[smem:s5], [sflag:s4] =	dma.local [hbm:s2], $0x1  }
0x93: {  	_ =	swait.eq [sflag:s4], $0x1  }
0x94: {  	[sflag:s4] =	ssyncset.done $0x0  }
0x95: {  	[sflag:s4] =	ssyncadd.s32 $0xFFFFFFFF  }
0x96: {  	s16 =	sld [smem:$0x10];
	(tm) =	ssettm $0x1  }
0x97: {  	s17 =	sld [smem:$0x3FFB];
	_ =	sdelay $0x3  }
0x98: {  	_ =	strace s17  }
0x99: {  	s4 =	sld [smem:$0x3FFC];
	_ =	sdelay $0x3  }
0x9a: {  	_ =	strace s4  }
0x9b: {  	s4 =	sld [smem:$0x3FFD];
	_ =	sdelay $0x3  }
0x9c: {  	_ =	strace s4  }
0x9d: {  	_ =	strace $0x8FFFFFFF  }
0x9e: {  	s18 =	sld [smem:$0x3FDB];
	_ =	sdelay $0x1  }
0x9f: {  	s19 =	simm.s32 $_scs_section_size  }
0xa0: {  	s6 =	simm.s32 $_size__tile_overlayer_lowered;
	s7 =	simm.s32 $_tile_overlayer_lowered  }
0xa1: {  	s22 =	simm.s32 $0x1BFF;
	s21 =	sshll.u32 s7, $0x1;
	s4 =	sadd.s32 s19, s18  }
0xa2: {  	s8 =	simm.s32 $0x0;
	s20 =	sshll.u32 s6, $0x1;
	s6 =	sadd.s32 s21, s4  }
0xa3: {  	[timem:s8], [sflag:s22] =	dma.local [hbm:s6], s20  }
0xa4: {  	_ =	swait.ge [sflag:s22], s20  }
0xa5: {  	s5 =	ssub.s32 $0x0, s20;
	[sflag:s22] =	ssyncset.done $0x0  }
0xa6: {  	[sflag:s22] =	ssyncadd.s32 s5;
	_ =	sdelay $0x1  }
0xa7: {  	s23 =	simm.s32 $0x1B8B  }
0xa8: {  	_ =	swait.ge [sflag:s23], $0x1  }
0xa9: {  	[sflag:s23] =	ssyncset.done $0x0  }
0xaa: {  	s25 =	simm.s32 $0x1B8E;
	s24 =	sld [smem:$0x3FFE];
	[sflag:s23] =	ssyncadd.s32 $0xFFFFFFFF  }
0xab: {  	s26 =	simm.s32 $execute0_lowered;
	[smem:$0x3FD2] =	sst s25  }
0xac: {  	s6 =	sshll.u32 s26, $0x1;
	_ =	strace $0x80000046;
	[dreg:$0x1] =	wrdreg $0xFFFFFFFF  }
0xad: {  	s28 =	simm.s32 $_size_execute0_lowered;
	s4 =	sadd.s32 s4, s6;
	[dreg:$0x0] =	wrdreg $0x0  }
0xae: {  	s6 =	sshll.u32 s28, $0x1;
	[dreg:$0x2] =	wrdreg s4  }
0xaf: {  	[dreg:$0x3] =	wrdreg s6  }
0xb0: {  	[dreg:$0x4] =	wrdreg $0xC0  }
0xb1: {  	_ =	task [dreg:s8], $0x5FFFF  }
0xb2: {  	[dreg:$0x1] =	wrdreg $0xFFFFFFFF  }
0xb3: {  	[dreg:$0x0] =	wrdreg $0x60  }
0xb4: {  	[dreg:$0x2] =	wrdreg s15  }
0xb5: {  	[dreg:$0x3] =	wrdreg s24  }
0xb6: {  	[dreg:$0x4] =	wrdreg s16  }
0xb7: {  	[dreg:$0x5] =	wrdreg $0x9  }
0xb8: {  	_ =	task.clear_ibuf [dreg:s8], $0x6FFFF;
	_ =	strace $0x90000046  }
0xb9: {  	s29 =	simm.s32 $0x9;
	_ =	strace $0x80000048  }
0xba: {  	_ =	swait.ge [sflag:s29], $0x1  }
0xbb: {  	[sflag:s29] =	ssyncadd.s32 $0xFFFFFFFF  }
0xbc: {  	_ =	strace $0x90000048  }
0xbd: {  	_ =	sfence  }
0xbe: {  	s30 =	sld [smem:$0x0];
	_ =	sdelay $0x2  }
0xbf: {  	s31 =	sshll.u32 s1, $0xD;
	s1 =	sshrl.u32 s1, $0x2  }
0xc0: {  	s3 =	sand.u32 $0x4000, s31;
	s1 =	sadd.s32 s1, s30  }
0xc1: {  	s0 =	sor.u32 s3, s0;
	s1 =	sshll.u32 s1, $0x11  }
0xc2: {  	s0 =	sor.u32 s1, s0  }
0xc3: {  	s0 =	sadd.s32 $0x8F2B, s0  }
0xc4: {  	[sflag:s0] =	ssyncadd.remote.s32 $0x1  }
0xc5: {  	_ =	sfence.sel $0xFFFF  }
0xc6: {  	[dreg:$0x0] =	wrdreg $0xFFFFFFFF;
	(pc) =	sbr.abs _section_cstart, $3  }
0xc7: {  	[dreg:$0x1] =	wrdreg $0xFFFFFFFF  }
0xc8: {  	_ =	task.clear_ibuf [dreg:s8], $0x2FFFF;
	_ =	strace $0x9FFFFFFF  }
0xc9: {  	(tm) =	ssettm $0x7FFFFFFF  }
tec
execute0_lowered:
.L_overlay_start_1:
0x0: {  	(tag) =	ssettag $0x1  }
0x1: {  	s1 =	rddreg [dreg:$0x0]  }
0x2: {  	s2 =	srdreg.scid;
	s4 =	rddreg [dreg:$0x1]  }
0x3: {  	s0 =	stileid.u32;
	s6 =	rddreg [dreg:$0x2]  }
0x4: {  	s17 =	simm.s32 $0x880;
	s18 =	simm.s32 $0x1080;
	s19 =	simm.s32 $0x1880  }
0x5: {  	s20 =	simm.s32 $0x2080;
	s22 =	simm.s32 $0x2880;
	s2 =	sand.u32 $0x1, s2  }
0x6: {  	s23 =	simm.s32 $0x3080;
	s3 =	sshll.u32 s0, $0x6;
	s5 =	sshll.u32 s2, $0x5  }
0x7: {  	s24 =	simm.s32 $0x3880;
	s5 =	sor.u32 s5, s3;
	s3 =	simm.s32 $0x0  }
0x8: {  	s25 =	simm.s32 $0x4080;
	s8 =	simm.s32 $0x4880;
	[smem:$0x7FF] =	sst s3  }
0x9: {  	s9 =	simm.s32 $0x5080;
	_ =	strace $0x80000047;
	[dreg:$0x6] =	wrdreg s17  }
0xa: {  	s10 =	simm.s32 $0x5880;
	s11 =	simm.s32 $0x6080;
	[dreg:$0x7] =	wrdreg s18  }
0xb: {  	s12 =	simm.s32 $0x6880;
	s26 =	simm.s32 $0x7080;
	[dreg:$0x8] =	wrdreg s19  }
0xc: {  	s13 =	simm.s32 $0x80;
	s15 =	simm.s32 $0x8080;
	[dreg:$0x9] =	wrdreg s20  }
0xd: {  	s28 =	simm.s32 $0xE080;
	s29 =	simm.s32 $0xE880;
	[dreg:$0xa] =	wrdreg s22  }
0xe: {  	s30 =	simm.s32 $0xF080;
	s2 =	ssub.s32 $0x2, s2;
	[dreg:$0xb] =	wrdreg s23  }
0xf: {  	s31 =	simm.s32 $0xF880;
	s21 =	sshrl.u32 s2, $0x1;
	[dreg:$0xc] =	wrdreg s24  }
0x10: {  	s7 =	sshrl.u32 s5, $0x3;
	s5 =	sshll.u32 s5, $0x8;
	[dreg:$0xd] =	wrdreg s25  }
0x11: {  	s2 =	ssub.s32 s2, s21;
	s21 =	simm.s32 $0xB080;
	[dreg:$0xe] =	wrdreg s8  }
0x12: {  	s4 =	sadd.s32 s7, s4;
	s16 =	sadd.s32 s6, s5;
	[dreg:$0xf] =	wrdreg s9  }
0x13: {  	s5 =	sadd.s32 $0x200, s1;
	s6 =	sadd.s32 $0x300, s1;
	[dreg:$0x10] =	wrdreg s10  }
0x14: {  	s7 =	sadd.s32 $0x400, s1;
	s8 =	sadd.s32 $0x500, s1;
	[dreg:$0x11] =	wrdreg s11  }
0x15: {  	s9 =	sadd.s32 $0x600, s1;
	s10 =	sadd.s32 $0x700, s1;
	[dreg:$0x12] =	wrdreg s12  }
0x16: {  	s11 =	smax.u32 s2, $0x1;
	s12 =	simm.s32 $0x2;
	[dreg:$0x13] =	wrdreg s26  }
0x17: {  	s17 =	simm.s32 $0x9080;
	s18 =	simm.s32 $0x9880;
	s19 =	simm.s32 $0xA080  }
0x18: {  	s20 =	simm.s32 $0xA880;
	s22 =	simm.s32 $0xB880;
	s23 =	simm.s32 $0xC080  }
0x19: {  	v2 =	vlaneseq.u32;
	s24 =	simm.s32 $0xC880;
	s25 =	simm.s32 $0xD080;
	s26 =	simm.s32 $0xD880  }
0x1a: {  	vm0 =	vmmov $0xffff;
	v1 =	vshrl.u32 v2, $0x3;
	s2 =	simm.s32 $0x1;
	s4 =	sadd.s32 $0x800, s4;
	[dreg:$0x5] =	wrdreg s16  }
0x1b: {  	v0 =	vand.u32 $0x7, v2;
	v2 =	vor.u32 $0x8, v2;
	v1 =	vmul.u32 $0x8, v1;
	s16 =	simm.s32 $0x8880;
	[dreg:$0x4] =	wrdreg s4;
	s4 =	sadd.s32 $0x100, s1  }
.LBB2_1:
0x1c: {  	s0 =	rddreg [dreg:$0x4]  }
0x1d: {  	[tilespmem:s3], [sflag:$0x2] =	stream.linear.gather [hbm4b:s0+s3], $0x20, $0x38;
	[tilespmem:$0x10080] =	vst v63  }
0x1e: {  	_ =	swait.ge [sflag:s12], $0x20  }
0x1f: {  	[sflag:s12] =	ssyncset.done $0x0  }
0x20: {  	[sflag:s12] =	ssyncadd.s32 $0xFFFFFFE0  }
0x21: {  	v3 =	vld [tilespmem:$0x0];
	_ =	sdelay $0x4  }
0x22: {  	v4 =	vshll.u32 v3, $0x4  }
0x23: {  	v3 =	vand.u32 $0x7, v3;
	v4 =	vand.u32 $0xFFFFFF80, v4  }
0x24: {  	v3 =	vor.u32 v3, v4  }
0x25: {  	v4 =	vperm.xlane v3, v0;
	_ =	sdelay $0x1  }
0x26: {  	v4 =	vadd.s32 v1, v4;
	_ =	sdelay $0x4  }
0x27: {  	[tilespmem:s13], [sflag:$0x1] =	stream.indirect_vreg.gather [hbm4b:s1+s3], $0x80, v4, vm0, $0xb8;
	[tilespmem:$0x10080] =	vst v63  }
0x28: {  	s0 =	rddreg [dreg:$0x6]  }
0x29: {  	[tilespmem:s0], [sflag:$0x1] =	stream.indirect_vreg.gather [hbm4b:s4+s3], $0x80, v4, vm0, $0xb8;
	[tilespmem:$0x10080] =	vst v63  }
0x2a: {  	s14 =	rddreg [dreg:$0x7]  }
0x2b: {  	[tilespmem:s14], [sflag:$0x1] =	stream.indirect_vreg.gather [hbm4b:s5+s3], $0x80, v4, vm0, $0xb8;
	[tilespmem:$0x10080] =	vst v63  }
0x2c: {  	s0 =	rddreg [dreg:$0x8]  }
0x2d: {  	[tilespmem:s0], [sflag:$0x1] =	stream.indirect_vreg.gather [hbm4b:s6+s3], $0x80, v4, vm0, $0xb8;
	[tilespmem:$0x10080] =	vst v63  }
0x2e: {  	s14 =	rddreg [dreg:$0x9]  }
0x2f: {  	[tilespmem:s14], [sflag:$0x1] =	stream.indirect_vreg.gather [hbm4b:s7+s3], $0x80, v4, vm0, $0xb8;
	[tilespmem:$0x10080] =	vst v63  }
0x30: {  	v3 =	vperm.xlane v3, v2;
	s0 =	rddreg [dreg:$0xa]  }
0x31: {  	[tilespmem:s0], [sflag:$0x1] =	stream.indirect_vreg.gather [hbm4b:s8+s3], $0x80, v4, vm0, $0xb8;
	[tilespmem:$0x10080] =	vst v63  }
0x32: {  	v3 =	vadd.s32 v1, v3;
	s14 =	rddreg [dreg:$0xb]  }
0x33: {  	[tilespmem:s14], [sflag:$0x1] =	stream.indirect_vreg.gather [hbm4b:s9+s3], $0x80, v4, vm0, $0xb8;
	[tilespmem:$0x10080] =	vst v63  }
0x34: {  	s0 =	rddreg [dreg:$0xc]  }
0x35: {  	[tilespmem:s0], [sflag:$0x1] =	stream.indirect_vreg.gather [hbm4b:s10+s3], $0x80, v4, vm0, $0xb8;
	[tilespmem:$0x10080] =	vst v63  }
0x36: {  	s14 =	rddreg [dreg:$0xd]  }
0x37: {  	[tilespmem:s14], [sflag:$0x1] =	stream.indirect_vreg.gather [hbm4b:s1+s3], $0x80, v3, vm0, $0xb8;
	[tilespmem:$0x10080] =	vst v63  }
0x38: {  	s0 =	rddreg [dreg:$0xe]  }
0x39: {  	[tilespmem:s0], [sflag:$0x1] =	stream.indirect_vreg.gather [hbm4b:s4+s3], $0x80, v3, vm0, $0xb8;
	[tilespmem:$0x10080] =	vst v63  }
0x3a: {  	s14 =	rddreg [dreg:$0xf]  }
0x3b: {  	[tilespmem:s14], [sflag:$0x1] =	stream.indirect_vreg.gather [hbm4b:s5+s3], $0x80, v3, vm0, $0xb8;
	[tilespmem:$0x10080] =	vst v63  }
0x3c: {  	s0 =	rddreg [dreg:$0x10]  }
0x3d: {  	[tilespmem:s0], [sflag:$0x1] =	stream.indirect_vreg.gather [hbm4b:s6+s3], $0x80, v3, vm0, $0xb8;
	[tilespmem:$0x10080] =	vst v63  }
0x3e: {  	s14 =	rddreg [dreg:$0x11]  }
0x3f: {  	[tilespmem:s14], [sflag:$0x1] =	stream.indirect_vreg.gather [hbm4b:s7+s3], $0x80, v3, vm0, $0xb8;
	[tilespmem:$0x10080] =	vst v63  }
0x40: {  	s0 =	rddreg [dreg:$0x12]  }
0x41: {  	[tilespmem:s0], [sflag:$0x1] =	stream.indirect_vreg.gather [hbm4b:s8+s3], $0x80, v3, vm0, $0xb8;
	[tilespmem:$0x10080] =	vst v63  }
0x42: {  	s14 =	rddreg [dreg:$0x13]  }
0x43: {  	[tilespmem:s14], [sflag:$0x1] =	stream.indirect_vreg.gather [hbm4b:s9+s3], $0x80, v3, vm0, $0xb8;
	[tilespmem:$0x10080] =	vst v63  }
0x44: {  	s14 =	simm.s32 $0x7880  }
0x45: {  	[tilespmem:s14], [sflag:$0x1] =	stream.indirect_vreg.gather [hbm4b:s10+s3], $0x80, v3, vm0, $0xb8;
	[tilespmem:$0x10080] =	vst v63  }
0x46: {  	v3 =	vld [tilespmem:$0x10];
	_ =	sdelay $0x4  }
0x47: {  	v63 =	vshll.u32 v3, $0x4  }
0x48: {  	v3 =	vand.u32 $0x7, v3;
	v4 =	vand.u32 $0xFFFFFF80, v63  }
0x49: {  	v3 =	vor.u32 v3, v4  }
0x4a: {  	v4 =	vperm.xlane v3, v0;
	_ =	sdelay $0x1  }
0x4b: {  	v4 =	vadd.s32 v1, v4;
	_ =	sdelay $0x4  }
0x4c: {  	[tilespmem:s15], [sflag:$0x1] =	stream.indirect_vreg.gather [hbm4b:s1+s3], $0x80, v4, vm0, $0xb8;
	[tilespmem:$0x10080] =	vst v63  }
0x4d: {  	_ = 	snop  }
0x4e: {  	[tilespmem:s16], [sflag:$0x1] =	stream.indirect_vreg.gather [hbm4b:s4+s3], $0x80, v4, vm0, $0xb8;
	[tilespmem:$0x10080] =	vst v63  }
0x4f: {  	_ = 	snop  }
0x50: {  	[tilespmem:s17], [sflag:$0x1] =	stream.indirect_vreg.gather [hbm4b:s5+s3], $0x80, v4, vm0, $0xb8;
	[tilespmem:$0x10080] =	vst v63  }
0x51: {  	_ = 	snop  }
0x52: {  	[tilespmem:s18], [sflag:$0x1] =	stream.indirect_vreg.gather [hbm4b:s6+s3], $0x80, v4, vm0, $0xb8;
	[tilespmem:$0x10080] =	vst v63  }
0x53: {  	_ = 	snop  }
0x54: {  	[tilespmem:s19], [sflag:$0x1] =	stream.indirect_vreg.gather [hbm4b:s7+s3], $0x80, v4, vm0, $0xb8;
	[tilespmem:$0x10080] =	vst v63  }
0x55: {  	v3 =	vperm.xlane v3, v2  }
0x56: {  	[tilespmem:s20], [sflag:$0x1] =	stream.indirect_vreg.gather [hbm4b:s8+s3], $0x80, v4, vm0, $0xb8;
	[tilespmem:$0x10080] =	vst v63  }
0x57: {  	v3 =	vadd.s32 v1, v3  }
0x58: {  	[tilespmem:s21], [sflag:$0x1] =	stream.indirect_vreg.gather [hbm4b:s9+s3], $0x80, v4, vm0, $0xb8;
	[tilespmem:$0x10080] =	vst v63  }
0x59: {  	_ = 	snop  }
0x5a: {  	[tilespmem:s22], [sflag:$0x1] =	stream.indirect_vreg.gather [hbm4b:s10+s3], $0x80, v4, vm0, $0xb8;
	[tilespmem:$0x10080] =	vst v63  }
0x5b: {  	_ = 	snop  }
0x5c: {  	[tilespmem:s23], [sflag:$0x1] =	stream.indirect_vreg.gather [hbm4b:s1+s3], $0x80, v3, vm0, $0xb8;
	[tilespmem:$0x10080] =	vst v63  }
0x5d: {  	_ = 	snop  }
0x5e: {  	[tilespmem:s24], [sflag:$0x1] =	stream.indirect_vreg.gather [hbm4b:s4+s3], $0x80, v3, vm0, $0xb8;
	[tilespmem:$0x10080] =	vst v63  }
0x5f: {  	_ = 	snop  }
0x60: {  	[tilespmem:s25], [sflag:$0x1] =	stream.indirect_vreg.gather [hbm4b:s5+s3], $0x80, v3, vm0, $0xb8;
	[tilespmem:$0x10080] =	vst v63  }
0x61: {  	_ = 	snop  }
0x62: {  	[tilespmem:s26], [sflag:$0x1] =	stream.indirect_vreg.gather [hbm4b:s6+s3], $0x80, v3, vm0, $0xb8;
	[tilespmem:$0x10080] =	vst v63  }
0x63: {  	_ = 	snop  }
0x64: {  	[tilespmem:s28], [sflag:$0x1] =	stream.indirect_vreg.gather [hbm4b:s7+s3], $0x80, v3, vm0, $0xb8;
	[tilespmem:$0x10080] =	vst v63  }
0x65: {  	_ = 	snop  }
0x66: {  	[tilespmem:s29], [sflag:$0x1] =	stream.indirect_vreg.gather [hbm4b:s8+s3], $0x80, v3, vm0, $0xb8;
	[tilespmem:$0x10080] =	vst v63  }
0x67: {  	_ = 	snop  }
0x68: {  	[tilespmem:s30], [sflag:$0x1] =	stream.indirect_vreg.gather [hbm4b:s9+s3], $0x80, v3, vm0, $0xb8;
	[tilespmem:$0x10080] =	vst v63  }
0x69: {  	_ = 	snop  }
0x6a: {  	[tilespmem:s31], [sflag:$0x1] =	stream.indirect_vreg.gather [hbm4b:s10+s3], $0x80, v3, vm0, $0xb8;
	[tilespmem:$0x10080] =	vst v63  }
0x6b: {  	_ =	swait.ge [sflag:s2], $0x10000  }
0x6c: {  	p0 =	sne.s32 s11, $0x1;
	[sflag:s2] =	ssyncset.done $0x0  }
.Ltmp0:
0x6d: {  	s14 =	rddreg [dreg:$0x5];
	[sflag:s2] =	ssyncadd.s32 $0xFFFF0000;
	(pc) =	sbr.rel @p0 .LBB2_1-.Ltmp0, $4  }
0x6e: {  	[hbm4b:s14+s3] =	stream.linear.scatter [tilespmem:s13], [sflag:$0x2], $0x10000, $0x38;
	[tilespmem:$0x10080] =	vst v63  }
0x6f: {  	_ =	swait.ge [sflag:s12], $0x10000  }
0x70: {  	[sflag:s12] =	ssyncset.done $0x0  }
0x71: {  	s11 =	sadd.s32 $0xFFFFFFFF, s11;
	[sflag:s12] =	ssyncadd.s32 $0xFFFF0000  }
0x72: {  	_ =	sfence.sel $0x180000  }
0x73: {  	[bflag:$0x0] =	sbarrier.arrive $0xFFFF  }
0x74: {  	_ =	strace $0x90000047  }
0x75: {  	s0 =	stileid.u32;
	[bflag:$0x2] =	sbarrier.arrive $0xFFFF  }
0x76: {  	p0 =	sne.s32 s0, $0x0;
	s0 =	rddreg [dreg:$0x3]  }
0x77: {  	s0 =	sadd.s32 @!p0 $0x100000, s0  }
0x78: {  	[sflag:s0] =	ssyncadd.tile.s32 @!p0 $0x1;
	_ =	shalt  }
.Lfunc_end2:
_tile_overlayer_lowered:
.L_overlay_start_2:
0x79: {  	(tag) =	ssettag $0x2  }
0x7a: {  	s0 =	rddreg [dreg:$0x0];
	s2 =	stileid.u32  }
0x7b: {  	s1 =	rddreg [dreg:$0x1];
	p0 =	sne.s32 s2, $0x0  }
0x7c: {  	s3 =	rddreg [dreg:$0x2];
	[bflag:$0x3] =	sbarrier.arrive $0xFFFF;
	s2 =	simm.s32 @!p0 $0x1C02  }
0x7d: {  	[timem:s3], [sflag:s2] =	dma.local @!p0 [hbm:s0], s1  }
0x7e: {  	s0 =	simm.s32 @!p0 $0x2  }
0x7f: {  	_ =	swait.ge @!p0 [sflag:s0], s1  }
0x80: {  	s1 =	ssub.s32 @!p0 $0x0, s1;
	[sflag:s0] =	ssyncset.done @!p0 $0x0  }
0x81: {  	[sflag:s0] =	ssyncadd.s32 @!p0 s1  }
0x82: {  	[bflag:$0x3] =	sbarrier.arrive $0xFFFF  }
0x83: {  	_ =	shalt  }

</sc_bundles>
